<compile_context>
chip_gen: v7x
topology: tpu7x:2x2x1
jax: 0.10.2.dev20260603
libtpu: 0.0.44.dev20260713+nightly
codegen_flags: <defaults>
</compile_context>

<pallas_src>
import jax
import jax.numpy as jnp
from jax import lax
from jax.experimental import pallas as pl
from jax.experimental.pallas import tpu as pltpu
from jax.experimental.pallas import tpu_sc as plsc

VOCAB = 100000
EMBED = 128
BATCH = 4096
NUM_CTX = 5

NUM_CORES = 2
NUM_SUBCORES = 16
NUM_WORKERS = NUM_CORES * NUM_SUBCORES
B_PER_W = BATCH // NUM_WORKERS
CHUNK = 64
NUM_CHUNKS = B_PER_W // CHUNK
LANES = 16
K_CHUNKS = EMBED // LANES


def _sc_kernel_body(tgt_idx_hbm, ctx_idx_hbm, w_tgt_hbm, w_ctx_hbm, out_hbm,
                    tgt_idx_v, ctx_idx_v, tgt_rows, ctx_rows, out_v, sems):
    wid = lax.axis_index("subcore") * NUM_CORES + lax.axis_index("core")
    base = wid * B_PER_W

    icp1 = pltpu.async_copy(tgt_idx_hbm.at[pl.ds(base, B_PER_W)], tgt_idx_v,
                            sems.at[2])
    icp2 = pltpu.async_copy(ctx_idx_hbm.at[:, pl.ds(base, B_PER_W)], ctx_idx_v,
                            sems.at[2])
    icp1.wait()
    icp2.wait()

    last_lane = lax.iota(jnp.int32, LANES) == (LANES - 1)

    def issue_gathers(g, par):
        cps = [pltpu.async_copy(
            w_tgt_hbm.at[tgt_idx_v.at[pl.ds(g * CHUNK, CHUNK)]],
            tgt_rows.at[par], sems.at[par])]
        for c in range(NUM_CTX):
            cps.append(pltpu.async_copy(
                w_ctx_hbm.at[ctx_idx_v.at[c, pl.ds(g * CHUNK, CHUNK)]],
                ctx_rows.at[par, pl.ds(c * CHUNK, CHUNK)], sems.at[par]))
        return cps

    def compute(g, par):
        @pl.loop(0, CHUNK)
        def _(b):
            t_chunks = [tgt_rows[par, b, pl.ds(k * LANES, LANES)]
                        for k in range(K_CHUNKS)]
            accs = []
            for c in range(NUM_CTX):
                prods = [t_chunks[k] * ctx_rows[par, c * CHUNK + b,
                                                pl.ds(k * LANES, LANES)]
                         for k in range(K_CHUNKS)]
                while len(prods) > 1:
                    prods = [prods[i] + prods[i + 1]
                             for i in range(0, len(prods) - 1, 2)] + (
                                 [prods[-1]] if len(prods) % 2 else [])
                accs.append(prods[0])
            sums = [plsc.cumsum(a) for a in accs]
            idx_b = jnp.full((LANES,), (g * CHUNK + b) * NUM_CTX, jnp.int32)
            for c in range(NUM_CTX):
                plsc.store_scatter(out_v, [idx_b + c], sums[c], mask=last_lane)

    ocps = []
    cps = issue_gathers(0, 0)
    for g in range(NUM_CHUNKS):
        par = g % 2
        for cp in cps:
            cp.wait()
        if g + 1 < NUM_CHUNKS:
            cps = issue_gathers(g + 1, 1 - par)
        compute(g, par)
        ocps.append(pltpu.async_copy(
            out_v.at[pl.ds(g * CHUNK * NUM_CTX, CHUNK * NUM_CTX)],
            out_hbm.at[pl.ds(base * NUM_CTX + g * CHUNK * NUM_CTX,
                             CHUNK * NUM_CTX)], sems.at[2]))

    for ocp in ocps:
        ocp.wait()


def kernel(target, context, W_target, W_context):
    tgt_idx = target.reshape(BATCH).astype(jnp.int32)
    ctx_idx = context.T.astype(jnp.int32)

    mesh = plsc.VectorSubcoreMesh(core_axis_name="core",
                                  subcore_axis_name="subcore")
    sc_call = pl.kernel(
        _sc_kernel_body,
        out_type=jax.ShapeDtypeStruct((BATCH * NUM_CTX,), jnp.float32),
        mesh=mesh,
        scratch_types=[
            pltpu.VMEM((B_PER_W,), jnp.int32),
            pltpu.VMEM((NUM_CTX, B_PER_W), jnp.int32),
            pltpu.VMEM((2, CHUNK, EMBED), jnp.float32),
            pltpu.VMEM((2, NUM_CTX * CHUNK, EMBED), jnp.float32),
            pltpu.VMEM((B_PER_W * NUM_CTX,), jnp.float32),
            pltpu.SemaphoreType.DMA((3,)),
        ],
        compiler_params=pltpu.CompilerParams(needs_layout_passes=False),
    )
    return sc_call(tgt_idx, ctx_idx, W_target, W_context).reshape(BATCH, NUM_CTX)

# --- scband reference (transcript-rebuilt; emitter-appended) ---
"""Pipeline reference for scband-skip-gram-9259949491048 (READ-ONLY COPY).

The authoritative reference and input builder live on the scoring server;
editing this copy changes nothing except your own understanding.
"""

import jax, jax.numpy as jnp
import numpy as np

VOCAB = 100000
EMBED = 128
BATCH = 4096
NUM_NS = 4

def setup_inputs(seed: int = 0) -> dict:
    key = jax.random.key(seed)
    k1, k2, k3, k4 = jax.random.split(key, 4)
    target = jax.random.randint(k1, (BATCH, 1), 0, VOCAB, dtype=jnp.int64 if jax.config.jax_enable_x64 else jnp.int32).astype(jnp.int32)
    context = jax.random.randint(k2, (BATCH, NUM_NS + 1), 0, VOCAB).astype(jnp.int32)
    W_target = jax.random.normal(k3, (VOCAB, EMBED), dtype=jnp.float32) * 0.05
    W_context = jax.random.normal(k4, (VOCAB, EMBED), dtype=jnp.float32) * 0.05
    return {"target": target, "context": context, "W_target": W_target, "W_context": W_context}

def reference(target, context, W_target, W_context):
    # target_embedding lookup: [B, 1, E]
    word_emb = jnp.take(W_target, target, axis=0)
    # context_embedding lookup: [B, num_ns+1, E]
    context_emb = jnp.take(W_context, context, axis=0)
    # Dot over the embedding axis: [B, num_ns+1, 1]
    dots = jnp.einsum('bce,bte->bct', context_emb, word_emb)
    # Flatten: [B, num_ns+1]
    return dots.reshape(dots.shape[0], -1)

if __name__ == "__main__":
    import jax
    _d = setup_inputs()
    print(jax.jit(kernel)(*tuple(_d.values())))

</pallas_src>

<mosaic_0001>
#map = affine_map<(d0, d1) -> (0)>
#map1 = affine_map<(d0, d1) -> (0, 0)>
module attributes {stable_mosaic.version = 14 : i64} {
  func.func @_sc_kernel_body(%arg0: i32, %arg1: i32, %arg2: memref<4096xi32, #tpu.memory_space<hbm>>, %arg3: memref<5x4096xi32, #tpu.memory_space<hbm>>, %arg4: memref<100000x128xf32, #tpu.memory_space<hbm>>, %arg5: memref<100000x128xf32, #tpu.memory_space<hbm>>, %arg6: memref<20480xf32, #tpu.memory_space<hbm>>, %arg7: memref<128xi32, #tpu.memory_space<vmem>>, %arg8: memref<5x128xi32, #tpu.memory_space<vmem>>, %arg9: memref<2x64x128xf32, #tpu.memory_space<vmem>>, %arg10: memref<2x320x128xf32, #tpu.memory_space<vmem>>, %arg11: memref<640xf32, #tpu.memory_space<vmem>>, %arg12: memref<3x!tpu.dma_semaphore, #tpu.memory_space<semaphore_mem>>) attributes {dimension_semantics = [#tpu.dimension_semantics<core_parallel>, #tpu.dimension_semantics<subcore_parallel>], iteration_bounds = array<i64: 2, 16>, scalar_prefetch = 0 : i64, scratch_operands = 6 : i64, tpu.core_type = #tpu.core_type<sc_vector_subcore>, window_params = [{transform_indices = #map}, {transform_indices = #map1}, {transform_indices = #map1}, {transform_indices = #map1}, {transform_indices = #map}]} {
    %mul3A = arith.constant 2 : i32
    %mul3A_0 = arith.muli %arg1, %mul3A : i32
    %add3A = arith.addi %mul3A_0, %arg0 : i32
    %mul3A_1 = arith.constant 128 : i32
    %mul3A_2 = arith.muli %add3A, %mul3A_1 : i32
    %dma_start3A = arith.constant 2 : i32
    %dma_start3A_3 = tpu.memref_slice %arg2[%mul3A_2] : memref<4096xi32, #tpu.memory_space<hbm>> -> memref<128xi32, #tpu.memory_space<hbm>>
    %dma_start3A_4 = tpu.memref_slice %arg12[%dma_start3A] : memref<3x!tpu.dma_semaphore, #tpu.memory_space<semaphore_mem>> -> memref<1x!tpu.dma_semaphore, #tpu.memory_space<semaphore_mem>>
    %dma_start3A_5 = tpu.memref_squeeze %dma_start3A_4 : memref<1x!tpu.dma_semaphore, #tpu.memory_space<semaphore_mem>> -> memref<!tpu.dma_semaphore, #tpu.memory_space<semaphore_mem>>
    %dma_start3A_6 = tpu.memref_slice %arg2[%mul3A_2] : memref<4096xi32, #tpu.memory_space<hbm>> -> memref<128xi32, #tpu.memory_space<hbm>>
    tpu.enqueue_dma source(%dma_start3A_6 : memref<128xi32, #tpu.memory_space<hbm>>) target(%arg7 : memref<128xi32, #tpu.memory_space<vmem>>) target_semaphore(%dma_start3A_5 : memref<!tpu.dma_semaphore, #tpu.memory_space<semaphore_mem>>)
    %dma_start3A_7 = arith.constant 2 : i32
    %dma_start3A_8 = arith.constant 0 : i32
    %dma_start3A_9 = tpu.memref_slice %arg3[%dma_start3A_8, %mul3A_2] : memref<5x4096xi32, #tpu.memory_space<hbm>> -> memref<5x128xi32, #tpu.memory_space<hbm>>
    %dma_start3A_10 = tpu.memref_slice %arg12[%dma_start3A_7] : memref<3x!tpu.dma_semaphore, #tpu.memory_space<semaphore_mem>> -> memref<1x!tpu.dma_semaphore, #tpu.memory_space<semaphore_mem>>
    %dma_start3A_11 = tpu.memref_squeeze %dma_start3A_10 : memref<1x!tpu.dma_semaphore, #tpu.memory_space<semaphore_mem>> -> memref<!tpu.dma_semaphore, #tpu.memory_space<semaphore_mem>>
    %dma_start3A_12 = arith.constant 0 : i32
    %dma_start3A_13 = tpu.memref_slice %arg3[%dma_start3A_12, %mul3A_2] : memref<5x4096xi32, #tpu.memory_space<hbm>> -> memref<5x128xi32, #tpu.memory_space<hbm>>
    tpu.enqueue_dma source(%dma_start3A_13 : memref<5x128xi32, #tpu.memory_space<hbm>>) target(%arg8 : memref<5x128xi32, #tpu.memory_space<vmem>>) target_semaphore(%dma_start3A_11 : memref<!tpu.dma_semaphore, #tpu.memory_space<semaphore_mem>>)
    %dma_wait3A = arith.constant 2 : i32
    %dma_wait3A_14 = tpu.memref_slice %arg2[%mul3A_2] : memref<4096xi32, #tpu.memory_space<hbm>> -> memref<128xi32, #tpu.memory_space<hbm>>
    %dma_wait3A_15 = tpu.memref_slice %arg12[%dma_wait3A] : memref<3x!tpu.dma_semaphore, #tpu.memory_space<semaphore_mem>> -> memref<1x!tpu.dma_semaphore, #tpu.memory_space<semaphore_mem>>
    %dma_wait3A_16 = tpu.memref_squeeze %dma_wait3A_15 : memref<1x!tpu.dma_semaphore, #tpu.memory_space<semaphore_mem>> -> memref<!tpu.dma_semaphore, #tpu.memory_space<semaphore_mem>>
    %dma_wait3A_17 = tpu.memref_slice %arg2[%mul3A_2] : memref<4096xi32, #tpu.memory_space<hbm>> -> memref<128xi32, #tpu.memory_space<hbm>>
    tpu.wait_dma2 semaphore(%dma_wait3A_16 : memref<!tpu.dma_semaphore, #tpu.memory_space<semaphore_mem>>) src(%dma_wait3A_17 : memref<128xi32, #tpu.memory_space<hbm>>) dst(%arg7 : memref<128xi32, #tpu.memory_space<vmem>>)
    %dma_wait3A_18 = arith.constant 2 : i32
    %dma_wait3A_19 = arith.constant 0 : i32
    %dma_wait3A_20 = tpu.memref_slice %arg3[%dma_wait3A_19, %mul3A_2] : memref<5x4096xi32, #tpu.memory_space<hbm>> -> memref<5x128xi32, #tpu.memory_space<hbm>>
    %dma_wait3A_21 = tpu.memref_slice %arg12[%dma_wait3A_18] : memref<3x!tpu.dma_semaphore, #tpu.memory_space<semaphore_mem>> -> memref<1x!tpu.dma_semaphore, #tpu.memory_space<semaphore_mem>>
    %dma_wait3A_22 = tpu.memref_squeeze %dma_wait3A_21 : memref<1x!tpu.dma_semaphore, #tpu.memory_space<semaphore_mem>> -> memref<!tpu.dma_semaphore, #tpu.memory_space<semaphore_mem>>
    %dma_wait3A_23 = arith.constant 0 : i32
    %dma_wait3A_24 = tpu.memref_slice %arg3[%dma_wait3A_23, %mul3A_2] : memref<5x4096xi32, #tpu.memory_space<hbm>> -> memref<5x128xi32, #tpu.memory_space<hbm>>
    tpu.wait_dma2 semaphore(%dma_wait3A_22 : memref<!tpu.dma_semaphore, #tpu.memory_space<semaphore_mem>>) src(%dma_wait3A_24 : memref<5x128xi32, #tpu.memory_space<hbm>>) dst(%arg8 : memref<5x128xi32, #tpu.memory_space<vmem>>)
    %iota3A = tpu.iota {dimensions = array<i32: 0>} : vector<16xi32>
    %eq3A = arith.constant 15 : i32
    %eq3A_25 = vector.broadcast %eq3A : i32 to vector<16xi32>
    %eq3A_26 = arith.cmpi eq, %iota3A, %eq3A_25 : vector<16xi32>
    %dma_start3A_27 = arith.constant 0 : i32
    %dma_start3A_28 = arith.constant 0 : i32
    %dma_start3A_29 = arith.constant 0 : i32
    %dma_start3A_30 = arith.constant 0 : i32
    %dma_start3A_31 = tpu.memref_slice %arg9[%dma_start3A_27, %dma_start3A_29, %dma_start3A_30] : memref<2x64x128xf32, #tpu.memory_space<vmem>> -> memref<1x64x128xf32, #tpu.memory_space<vmem>>
    %dma_start3A_32 = tpu.memref_squeeze %dma_start3A_31 : memref<1x64x128xf32, #tpu.memory_space<vmem>> -> memref<64x128xf32, #tpu.memory_space<vmem>>
    %dma_start3A_33 = arith.constant 0 : i32
    %dma_start3A_34 = tpu.memref_slice %arg7[%dma_start3A_33] : memref<128xi32, #tpu.memory_space<vmem>> -> memref<64xi32, #tpu.memory_space<vmem>>
    %dma_start3A_35 = arith.constant 0 : i32
    %dma_start3A_36 = arith.constant 0 : i32
    %dma_start3A_37 = tpu.memref_slice %arg4[%dma_start3A_35, %dma_start3A_36] : memref<100000x128xf32, #tpu.memory_space<hbm>> -> memref<100000x128xf32, #tpu.memory_space<hbm>>
    %dma_start3A_38 = tpu.memref_slice %arg12[%dma_start3A_28] : memref<3x!tpu.dma_semaphore, #tpu.memory_space<semaphore_mem>> -> memref<1x!tpu.dma_semaphore, #tpu.memory_space<semaphore_mem>>
    %dma_start3A_39 = tpu.memref_squeeze %dma_start3A_38 : memref<1x!tpu.dma_semaphore, #tpu.memory_space<semaphore_mem>> -> memref<!tpu.dma_semaphore, #tpu.memory_space<semaphore_mem>>
    tpu.enqueue_indirect_dma source(%dma_start3A_37 : memref<100000x128xf32, #tpu.memory_space<hbm>>) target(%dma_start3A_32 : memref<64x128xf32, #tpu.memory_space<vmem>>) offsets(%dma_start3A_34 : memref<64xi32, #tpu.memory_space<vmem>>) semaphore(%dma_start3A_39 : memref<!tpu.dma_semaphore, #tpu.memory_space<semaphore_mem>>)
    %dma_start3A_40 = arith.constant 0 : i32
    %dma_start3A_41 = arith.constant 0 : i32
    %dma_start3A_42 = arith.constant 0 : i32
    %dma_start3A_43 = arith.constant 0 : i32
    %dma_start3A_44 = arith.constant 0 : i32
    %dma_start3A_45 = tpu.memref_slice %arg10[%dma_start3A_41, %dma_start3A_43, %dma_start3A_44] : memref<2x320x128xf32, #tpu.memory_space<vmem>> -> memref<1x64x128xf32, #tpu.memory_space<vmem>>
    %dma_start3A_46 = tpu.memref_squeeze %dma_start3A_45 : memref<1x64x128xf32, #tpu.memory_space<vmem>> -> memref<64x128xf32, #tpu.memory_space<vmem>>
    %dma_start3A_47 = arith.constant 0 : i32
    %dma_start3A_48 = tpu.memref_slice %arg8[%dma_start3A_40, %dma_start3A_47] : memref<5x128xi32, #tpu.memory_space<vmem>> -> memref<1x64xi32, #tpu.memory_space<vmem>>
    %dma_start3A_49 = tpu.memref_squeeze %dma_start3A_48 : memref<1x64xi32, #tpu.memory_space<vmem>> -> memref<64xi32, #tpu.memory_space<vmem>>
    %dma_start3A_50 = arith.constant 0 : i32
    %dma_start3A_51 = arith.constant 0 : i32
    %dma_start3A_52 = tpu.memref_slice %arg5[%dma_start3A_50, %dma_start3A_51] : memref<100000x128xf32, #tpu.memory_space<hbm>> -> memref<100000x128xf32, #tpu.memory_space<hbm>>
    %dma_start3A_53 = tpu.memref_slice %arg12[%dma_start3A_42] : memref<3x!tpu.dma_semaphore, #tpu.memory_space<semaphore_mem>> -> memref<1x!tpu.dma_semaphore, #tpu.memory_space<semaphore_mem>>
    %dma_start3A_54 = tpu.memref_squeeze %dma_start3A_53 : memref<1x!tpu.dma_semaphore, #tpu.memory_space<semaphore_mem>> -> memref<!tpu.dma_semaphore, #tpu.memory_space<semaphore_mem>>
    tpu.enqueue_indirect_dma source(%dma_start3A_52 : memref<100000x128xf32, #tpu.memory_space<hbm>>) target(%dma_start3A_46 : memref<64x128xf32, #tpu.memory_space<vmem>>) offsets(%dma_start3A_49 : memref<64xi32, #tpu.memory_space<vmem>>) semaphore(%dma_start3A_54 : memref<!tpu.dma_semaphore, #tpu.memory_space<semaphore_mem>>)
    %dma_start3A_55 = arith.constant 1 : i32
    %dma_start3A_56 = arith.constant 0 : i32
    %dma_start3A_57 = arith.constant 0 : i32
    %dma_start3A_58 = arith.constant 64 : i32
    %dma_start3A_59 = arith.constant 0 : i32
    %dma_start3A_60 = tpu.memref_slice %arg10[%dma_start3A_56, %dma_start3A_58, %dma_start3A_59] : memref<2x320x128xf32, #tpu.memory_space<vmem>> -> memref<1x64x128xf32, #tpu.memory_space<vmem>>
    %dma_start3A_61 = tpu.memref_squeeze %dma_start3A_60 : memref<1x64x128xf32, #tpu.memory_space<vmem>> -> memref<64x128xf32, #tpu.memory_space<vmem>>
    %dma_start3A_62 = arith.constant 0 : i32
    %dma_start3A_63 = tpu.memref_slice %arg8[%dma_start3A_55, %dma_start3A_62] : memref<5x128xi32, #tpu.memory_space<vmem>> -> memref<1x64xi32, #tpu.memory_space<vmem>>
    %dma_start3A_64 = tpu.memref_squeeze %dma_start3A_63 : memref<1x64xi32, #tpu.memory_space<vmem>> -> memref<64xi32, #tpu.memory_space<vmem>>
    %dma_start3A_65 = arith.constant 0 : i32
    %dma_start3A_66 = arith.constant 0 : i32
    %dma_start3A_67 = tpu.memref_slice %arg5[%dma_start3A_65, %dma_start3A_66] : memref<100000x128xf32, #tpu.memory_space<hbm>> -> memref<100000x128xf32, #tpu.memory_space<hbm>>
    %dma_start3A_68 = tpu.memref_slice %arg12[%dma_start3A_57] : memref<3x!tpu.dma_semaphore, #tpu.memory_space<semaphore_mem>> -> memref<1x!tpu.dma_semaphore, #tpu.memory_space<semaphore_mem>>
    %dma_start3A_69 = tpu.memref_squeeze %dma_start3A_68 : memref<1x!tpu.dma_semaphore, #tpu.memory_space<semaphore_mem>> -> memref<!tpu.dma_semaphore, #tpu.memory_space<semaphore_mem>>
    tpu.enqueue_indirect_dma source(%dma_start3A_67 : memref<100000x128xf32, #tpu.memory_space<hbm>>) target(%dma_start3A_61 : memref<64x128xf32, #tpu.memory_space<vmem>>) offsets(%dma_start3A_64 : memref<64xi32, #tpu.memory_space<vmem>>) semaphore(%dma_start3A_69 : memref<!tpu.dma_semaphore, #tpu.memory_space<semaphore_mem>>)
    %dma_start3A_70 = arith.constant 2 : i32
    %dma_start3A_71 = arith.constant 0 : i32
    %dma_start3A_72 = arith.constant 0 : i32
    %dma_start3A_73 = arith.constant 128 : i32
    %dma_start3A_74 = arith.constant 0 : i32
    %dma_start3A_75 = tpu.memref_slice %arg10[%dma_start3A_71, %dma_start3A_73, %dma_start3A_74] : memref<2x320x128xf32, #tpu.memory_space<vmem>> -> memref<1x64x128xf32, #tpu.memory_space<vmem>>
    %dma_start3A_76 = tpu.memref_squeeze %dma_start3A_75 : memref<1x64x128xf32, #tpu.memory_space<vmem>> -> memref<64x128xf32, #tpu.memory_space<vmem>>
    %dma_start3A_77 = arith.constant 0 : i32
    %dma_start3A_78 = tpu.memref_slice %arg8[%dma_start3A_70, %dma_start3A_77] : memref<5x128xi32, #tpu.memory_space<vmem>> -> memref<1x64xi32, #tpu.memory_space<vmem>>
    %dma_start3A_79 = tpu.memref_squeeze %dma_start3A_78 : memref<1x64xi32, #tpu.memory_space<vmem>> -> memref<64xi32, #tpu.memory_space<vmem>>
    %dma_start3A_80 = arith.constant 0 : i32
    %dma_start3A_81 = arith.constant 0 : i32
    %dma_start3A_82 = tpu.memref_slice %arg5[%dma_start3A_80, %dma_start3A_81] : memref<100000x128xf32, #tpu.memory_space<hbm>> -> memref<100000x128xf32, #tpu.memory_space<hbm>>
    %dma_start3A_83 = tpu.memref_slice %arg12[%dma_start3A_72] : memref<3x!tpu.dma_semaphore, #tpu.memory_space<semaphore_mem>> -> memref<1x!tpu.dma_semaphore, #tpu.memory_space<semaphore_mem>>
    %dma_start3A_84 = tpu.memref_squeeze %dma_start3A_83 : memref<1x!tpu.dma_semaphore, #tpu.memory_space<semaphore_mem>> -> memref<!tpu.dma_semaphore, #tpu.memory_space<semaphore_mem>>
    tpu.enqueue_indirect_dma source(%dma_start3A_82 : memref<100000x128xf32, #tpu.memory_space<hbm>>) target(%dma_start3A_76 : memref<64x128xf32, #tpu.memory_space<vmem>>) offsets(%dma_start3A_79 : memref<64xi32, #tpu.memory_space<vmem>>) semaphore(%dma_start3A_84 : memref<!tpu.dma_semaphore, #tpu.memory_space<semaphore_mem>>)
    %dma_start3A_85 = arith.constant 3 : i32
    %dma_start3A_86 = arith.constant 0 : i32
    %dma_start3A_87 = arith.constant 0 : i32
    %dma_start3A_88 = arith.constant 192 : i32
    %dma_start3A_89 = arith.constant 0 : i32
    %dma_start3A_90 = tpu.memref_slice %arg10[%dma_start3A_86, %dma_start3A_88, %dma_start3A_89] : memref<2x320x128xf32, #tpu.memory_space<vmem>> -> memref<1x64x128xf32, #tpu.memory_space<vmem>>
    %dma_start3A_91 = tpu.memref_squeeze %dma_start3A_90 : memref<1x64x128xf32, #tpu.memory_space<vmem>> -> memref<64x128xf32, #tpu.memory_space<vmem>>
    %dma_start3A_92 = arith.constant 0 : i32
    %dma_start3A_93 = tpu.memref_slice %arg8[%dma_start3A_85, %dma_start3A_92] : memref<5x128xi32, #tpu.memory_space<vmem>> -> memref<1x64xi32, #tpu.memory_space<vmem>>
    %dma_start3A_94 = tpu.memref_squeeze %dma_start3A_93 : memref<1x64xi32, #tpu.memory_space<vmem>> -> memref<64xi32, #tpu.memory_space<vmem>>
    %dma_start3A_95 = arith.constant 0 : i32
    %dma_start3A_96 = arith.constant 0 : i32
    %dma_start3A_97 = tpu.memref_slice %arg5[%dma_start3A_95, %dma_start3A_96] : memref<100000x128xf32, #tpu.memory_space<hbm>> -> memref<100000x128xf32, #tpu.memory_space<hbm>>
    %dma_start3A_98 = tpu.memref_slice %arg12[%dma_start3A_87] : memref<3x!tpu.dma_semaphore, #tpu.memory_space<semaphore_mem>> -> memref<1x!tpu.dma_semaphore, #tpu.memory_space<semaphore_mem>>
    %dma_start3A_99 = tpu.memref_squeeze %dma_start3A_98 : memref<1x!tpu.dma_semaphore, #tpu.memory_space<semaphore_mem>> -> memref<!tpu.dma_semaphore, #tpu.memory_space<semaphore_mem>>
    tpu.enqueue_indirect_dma source(%dma_start3A_97 : memref<100000x128xf32, #tpu.memory_space<hbm>>) target(%dma_start3A_91 : memref<64x128xf32, #tpu.memory_space<vmem>>) offsets(%dma_start3A_94 : memref<64xi32, #tpu.memory_space<vmem>>) semaphore(%dma_start3A_99 : memref<!tpu.dma_semaphore, #tpu.memory_space<semaphore_mem>>)
    %dma_start3A_100 = arith.constant 4 : i32
    %dma_start3A_101 = arith.constant 0 : i32
    %dma_start3A_102 = arith.constant 0 : i32
    %dma_start3A_103 = arith.constant 256 : i32
    %dma_start3A_104 = arith.constant 0 : i32
    %dma_start3A_105 = tpu.memref_slice %arg10[%dma_start3A_101, %dma_start3A_103, %dma_start3A_104] : memref<2x320x128xf32, #tpu.memory_space<vmem>> -> memref<1x64x128xf32, #tpu.memory_space<vmem>>
    %dma_start3A_106 = tpu.memref_squeeze %dma_start3A_105 : memref<1x64x128xf32, #tpu.memory_space<vmem>> -> memref<64x128xf32, #tpu.memory_space<vmem>>
    %dma_start3A_107 = arith.constant 0 : i32
    %dma_start3A_108 = tpu.memref_slice %arg8[%dma_start3A_100, %dma_start3A_107] : memref<5x128xi32, #tpu.memory_space<vmem>> -> memref<1x64xi32, #tpu.memory_space<vmem>>
    %dma_start3A_109 = tpu.memref_squeeze %dma_start3A_108 : memref<1x64xi32, #tpu.memory_space<vmem>> -> memref<64xi32, #tpu.memory_space<vmem>>
    %dma_start3A_110 = arith.constant 0 : i32
    %dma_start3A_111 = arith.constant 0 : i32
    %dma_start3A_112 = tpu.memref_slice %arg5[%dma_start3A_110, %dma_start3A_111] : memref<100000x128xf32, #tpu.memory_space<hbm>> -> memref<100000x128xf32, #tpu.memory_space<hbm>>
    %dma_start3A_113 = tpu.memref_slice %arg12[%dma_start3A_102] : memref<3x!tpu.dma_semaphore, #tpu.memory_space<semaphore_mem>> -> memref<1x!tpu.dma_semaphore, #tpu.memory_space<semaphore_mem>>
    %dma_start3A_114 = tpu.memref_squeeze %dma_start3A_113 : memref<1x!tpu.dma_semaphore, #tpu.memory_space<semaphore_mem>> -> memref<!tpu.dma_semaphore, #tpu.memory_space<semaphore_mem>>
    tpu.enqueue_indirect_dma source(%dma_start3A_112 : memref<100000x128xf32, #tpu.memory_space<hbm>>) target(%dma_start3A_106 : memref<64x128xf32, #tpu.memory_space<vmem>>) offsets(%dma_start3A_109 : memref<64xi32, #tpu.memory_space<vmem>>) semaphore(%dma_start3A_114 : memref<!tpu.dma_semaphore, #tpu.memory_space<semaphore_mem>>)
    %dma_wait3A_115 = arith.constant 0 : i32
    %dma_wait3A_116 = arith.constant 0 : i32
    %dma_wait3A_117 = arith.constant 0 : i32
    %dma_wait3A_118 = arith.constant 0 : i32
    %dma_wait3A_119 = tpu.memref_slice %arg9[%dma_wait3A_115, %dma_wait3A_117, %dma_wait3A_118] : memref<2x64x128xf32, #tpu.memory_space<vmem>> -> memref<1x64x128xf32, #tpu.memory_space<vmem>>
    %dma_wait3A_120 = tpu.memref_squeeze %dma_wait3A_119 : memref<1x64x128xf32, #tpu.memory_space<vmem>> -> memref<64x128xf32, #tpu.memory_space<vmem>>
    %dma_wait3A_121 = arith.constant 0 : i32
    %dma_wait3A_122 = tpu.memref_slice %arg7[%dma_wait3A_121] : memref<128xi32, #tpu.memory_space<vmem>> -> memref<64xi32, #tpu.memory_space<vmem>>
    %dma_wait3A_123 = arith.constant 0 : i32
    %dma_wait3A_124 = arith.constant 0 : i32
    %dma_wait3A_125 = tpu.memref_slice %arg4[%dma_wait3A_123, %dma_wait3A_124] : memref<100000x128xf32, #tpu.memory_space<hbm>> -> memref<100000x128xf32, #tpu.memory_space<hbm>>
    %dma_wait3A_126 = tpu.memref_slice %arg12[%dma_wait3A_116] : memref<3x!tpu.dma_semaphore, #tpu.memory_space<semaphore_mem>> -> memref<1x!tpu.dma_semaphore, #tpu.memory_space<semaphore_mem>>
    %dma_wait3A_127 = tpu.memref_squeeze %dma_wait3A_126 : memref<1x!tpu.dma_semaphore, #tpu.memory_space<semaphore_mem>> -> memref<!tpu.dma_semaphore, #tpu.memory_space<semaphore_mem>>
    tpu.wait_indirect_dma semaphore(%dma_wait3A_127 : memref<!tpu.dma_semaphore, #tpu.memory_space<semaphore_mem>>) src(%dma_wait3A_125 : memref<100000x128xf32, #tpu.memory_space<hbm>>) dst(%dma_wait3A_120 : memref<64x128xf32, #tpu.memory_space<vmem>>)
    %dma_wait3A_128 = arith.constant 0 : i32
    %dma_wait3A_129 = arith.constant 0 : i32
    %dma_wait3A_130 = arith.constant 0 : i32
    %dma_wait3A_131 = arith.constant 0 : i32
    %dma_wait3A_132 = arith.constant 0 : i32
    %dma_wait3A_133 = tpu.memref_slice %arg10[%dma_wait3A_129, %dma_wait3A_131, %dma_wait3A_132] : memref<2x320x128xf32, #tpu.memory_space<vmem>> -> memref<1x64x128xf32, #tpu.memory_space<vmem>>
    %dma_wait3A_134 = tpu.memref_squeeze %dma_wait3A_133 : memref<1x64x128xf32, #tpu.memory_space<vmem>> -> memref<64x128xf32, #tpu.memory_space<vmem>>
    %dma_wait3A_135 = arith.constant 0 : i32
    %dma_wait3A_136 = tpu.memref_slice %arg8[%dma_wait3A_128, %dma_wait3A_135] : memref<5x128xi32, #tpu.memory_space<vmem>> -> memref<1x64xi32, #tpu.memory_space<vmem>>
    %dma_wait3A_137 = tpu.memref_squeeze %dma_wait3A_136 : memref<1x64xi32, #tpu.memory_space<vmem>> -> memref<64xi32, #tpu.memory_space<vmem>>
    %dma_wait3A_138 = arith.constant 0 : i32
    %dma_wait3A_139 = arith.constant 0 : i32
    %dma_wait3A_140 = tpu.memref_slice %arg5[%dma_wait3A_138, %dma_wait3A_139] : memref<100000x128xf32, #tpu.memory_space<hbm>> -> memref<100000x128xf32, #tpu.memory_space<hbm>>
    %dma_wait3A_141 = tpu.memref_slice %arg12[%dma_wait3A_130] : memref<3x!tpu.dma_semaphore, #tpu.memory_space<semaphore_mem>> -> memref<1x!tpu.dma_semaphore, #tpu.memory_space<semaphore_mem>>
    %dma_wait3A_142 = tpu.memref_squeeze %dma_wait3A_141 : memref<1x!tpu.dma_semaphore, #tpu.memory_space<semaphore_mem>> -> memref<!tpu.dma_semaphore, #tpu.memory_space<semaphore_mem>>
    tpu.wait_indirect_dma semaphore(%dma_wait3A_142 : memref<!tpu.dma_semaphore, #tpu.memory_space<semaphore_mem>>) src(%dma_wait3A_140 : memref<100000x128xf32, #tpu.memory_space<hbm>>) dst(%dma_wait3A_134 : memref<64x128xf32, #tpu.memory_space<vmem>>)
    %dma_wait3A_143 = arith.constant 1 : i32
    %dma_wait3A_144 = arith.constant 0 : i32
    %dma_wait3A_145 = arith.constant 0 : i32
    %dma_wait3A_146 = arith.constant 64 : i32
    %dma_wait3A_147 = arith.constant 0 : i32
    %dma_wait3A_148 = tpu.memref_slice %arg10[%dma_wait3A_144, %dma_wait3A_146, %dma_wait3A_147] : memref<2x320x128xf32, #tpu.memory_space<vmem>> -> memref<1x64x128xf32, #tpu.memory_space<vmem>>
    %dma_wait3A_149 = tpu.memref_squeeze %dma_wait3A_148 : memref<1x64x128xf32, #tpu.memory_space<vmem>> -> memref<64x128xf32, #tpu.memory_space<vmem>>
    %dma_wait3A_150 = arith.constant 0 : i32
    %dma_wait3A_151 = tpu.memref_slice %arg8[%dma_wait3A_143, %dma_wait3A_150] : memref<5x128xi32, #tpu.memory_space<vmem>> -> memref<1x64xi32, #tpu.memory_space<vmem>>
    %dma_wait3A_152 = tpu.memref_squeeze %dma_wait3A_151 : memref<1x64xi32, #tpu.memory_space<vmem>> -> memref<64xi32, #tpu.memory_space<vmem>>
    %dma_wait3A_153 = arith.constant 0 : i32
    %dma_wait3A_154 = arith.constant 0 : i32
    %dma_wait3A_155 = tpu.memref_slice %arg5[%dma_wait3A_153, %dma_wait3A_154] : memref<100000x128xf32, #tpu.memory_space<hbm>> -> memref<100000x128xf32, #tpu.memory_space<hbm>>
    %dma_wait3A_156 = tpu.memref_slice %arg12[%dma_wait3A_145] : memref<3x!tpu.dma_semaphore, #tpu.memory_space<semaphore_mem>> -> memref<1x!tpu.dma_semaphore, #tpu.memory_space<semaphore_mem>>
    %dma_wait3A_157 = tpu.memref_squeeze %dma_wait3A_156 : memref<1x!tpu.dma_semaphore, #tpu.memory_space<semaphore_mem>> -> memref<!tpu.dma_semaphore, #tpu.memory_space<semaphore_mem>>
    tpu.wait_indirect_dma semaphore(%dma_wait3A_157 : memref<!tpu.dma_semaphore, #tpu.memory_space<semaphore_mem>>) src(%dma_wait3A_155 : memref<100000x128xf32, #tpu.memory_space<hbm>>) dst(%dma_wait3A_149 : memref<64x128xf32, #tpu.memory_space<vmem>>)
    %dma_wait3A_158 = arith.constant 2 : i32
    %dma_wait3A_159 = arith.constant 0 : i32
    %dma_wait3A_160 = arith.constant 0 : i32
    %dma_wait3A_161 = arith.constant 128 : i32
    %dma_wait3A_162 = arith.constant 0 : i32
    %dma_wait3A_163 = tpu.memref_slice %arg10[%dma_wait3A_159, %dma_wait3A_161, %dma_wait3A_162] : memref<2x320x128xf32, #tpu.memory_space<vmem>> -> memref<1x64x128xf32, #tpu.memory_space<vmem>>
    %dma_wait3A_164 = tpu.memref_squeeze %dma_wait3A_163 : memref<1x64x128xf32, #tpu.memory_space<vmem>> -> memref<64x128xf32, #tpu.memory_space<vmem>>
    %dma_wait3A_165 = arith.constant 0 : i32
    %dma_wait3A_166 = tpu.memref_slice %arg8[%dma_wait3A_158, %dma_wait3A_165] : memref<5x128xi32, #tpu.memory_space<vmem>> -> memref<1x64xi32, #tpu.memory_space<vmem>>
    %dma_wait3A_167 = tpu.memref_squeeze %dma_wait3A_166 : memref<1x64xi32, #tpu.memory_space<vmem>> -> memref<64xi32, #tpu.memory_space<vmem>>
    %dma_wait3A_168 = arith.constant 0 : i32
    %dma_wait3A_169 = arith.constant 0 : i32
    %dma_wait3A_170 = tpu.memref_slice %arg5[%dma_wait3A_168, %dma_wait3A_169] : memref<100000x128xf32, #tpu.memory_space<hbm>> -> memref<100000x128xf32, #tpu.memory_space<hbm>>
    %dma_wait3A_171 = tpu.memref_slice %arg12[%dma_wait3A_160] : memref<3x!tpu.dma_semaphore, #tpu.memory_space<semaphore_mem>> -> memref<1x!tpu.dma_semaphore, #tpu.memory_space<semaphore_mem>>
    %dma_wait3A_172 = tpu.memref_squeeze %dma_wait3A_171 : memref<1x!tpu.dma_semaphore, #tpu.memory_space<semaphore_mem>> -> memref<!tpu.dma_semaphore, #tpu.memory_space<semaphore_mem>>
    tpu.wait_indirect_dma semaphore(%dma_wait3A_172 : memref<!tpu.dma_semaphore, #tpu.memory_space<semaphore_mem>>) src(%dma_wait3A_170 : memref<100000x128xf32, #tpu.memory_space<hbm>>) dst(%dma_wait3A_164 : memref<64x128xf32, #tpu.memory_space<vmem>>)
    %dma_wait3A_173 = arith.constant 3 : i32
    %dma_wait3A_174 = arith.constant 0 : i32
    %dma_wait3A_175 = arith.constant 0 : i32
    %dma_wait3A_176 = arith.constant 192 : i32
    %dma_wait3A_177 = arith.constant 0 : i32
    %dma_wait3A_178 = tpu.memref_slice %arg10[%dma_wait3A_174, %dma_wait3A_176, %dma_wait3A_177] : memref<2x320x128xf32, #tpu.memory_space<vmem>> -> memref<1x64x128xf32, #tpu.memory_space<vmem>>
    %dma_wait3A_179 = tpu.memref_squeeze %dma_wait3A_178 : memref<1x64x128xf32, #tpu.memory_space<vmem>> -> memref<64x128xf32, #tpu.memory_space<vmem>>
    %dma_wait3A_180 = arith.constant 0 : i32
    %dma_wait3A_181 = tpu.memref_slice %arg8[%dma_wait3A_173, %dma_wait3A_180] : memref<5x128xi32, #tpu.memory_space<vmem>> -> memref<1x64xi32, #tpu.memory_space<vmem>>
    %dma_wait3A_182 = tpu.memref_squeeze %dma_wait3A_181 : memref<1x64xi32, #tpu.memory_space<vmem>> -> memref<64xi32, #tpu.memory_space<vmem>>
    %dma_wait3A_183 = arith.constant 0 : i32
    %dma_wait3A_184 = arith.constant 0 : i32
    %dma_wait3A_185 = tpu.memref_slice %arg5[%dma_wait3A_183, %dma_wait3A_184] : memref<100000x128xf32, #tpu.memory_space<hbm>> -> memref<100000x128xf32, #tpu.memory_space<hbm>>
    %dma_wait3A_186 = tpu.memref_slice %arg12[%dma_wait3A_175] : memref<3x!tpu.dma_semaphore, #tpu.memory_space<semaphore_mem>> -> memref<1x!tpu.dma_semaphore, #tpu.memory_space<semaphore_mem>>
    %dma_wait3A_187 = tpu.memref_squeeze %dma_wait3A_186 : memref<1x!tpu.dma_semaphore, #tpu.memory_space<semaphore_mem>> -> memref<!tpu.dma_semaphore, #tpu.memory_space<semaphore_mem>>
    tpu.wait_indirect_dma semaphore(%dma_wait3A_187 : memref<!tpu.dma_semaphore, #tpu.memory_space<semaphore_mem>>) src(%dma_wait3A_185 : memref<100000x128xf32, #tpu.memory_space<hbm>>) dst(%dma_wait3A_179 : memref<64x128xf32, #tpu.memory_space<vmem>>)
    %dma_wait3A_188 = arith.constant 4 : i32
    %dma_wait3A_189 = arith.constant 0 : i32
    %dma_wait3A_190 = arith.constant 0 : i32
    %dma_wait3A_191 = arith.constant 256 : i32
    %dma_wait3A_192 = arith.constant 0 : i32
    %dma_wait3A_193 = tpu.memref_slice %arg10[%dma_wait3A_189, %dma_wait3A_191, %dma_wait3A_192] : memref<2x320x128xf32, #tpu.memory_space<vmem>> -> memref<1x64x128xf32, #tpu.memory_space<vmem>>
    %dma_wait3A_194 = tpu.memref_squeeze %dma_wait3A_193 : memref<1x64x128xf32, #tpu.memory_space<vmem>> -> memref<64x128xf32, #tpu.memory_space<vmem>>
    %dma_wait3A_195 = arith.constant 0 : i32
    %dma_wait3A_196 = tpu.memref_slice %arg8[%dma_wait3A_188, %dma_wait3A_195] : memref<5x128xi32, #tpu.memory_space<vmem>> -> memref<1x64xi32, #tpu.memory_space<vmem>>
    %dma_wait3A_197 = tpu.memref_squeeze %dma_wait3A_196 : memref<1x64xi32, #tpu.memory_space<vmem>> -> memref<64xi32, #tpu.memory_space<vmem>>
    %dma_wait3A_198 = arith.constant 0 : i32
    %dma_wait3A_199 = arith.constant 0 : i32
    %dma_wait3A_200 = tpu.memref_slice %arg5[%dma_wait3A_198, %dma_wait3A_199] : memref<100000x128xf32, #tpu.memory_space<hbm>> -> memref<100000x128xf32, #tpu.memory_space<hbm>>
    %dma_wait3A_201 = tpu.memref_slice %arg12[%dma_wait3A_190] : memref<3x!tpu.dma_semaphore, #tpu.memory_space<semaphore_mem>> -> memref<1x!tpu.dma_semaphore, #tpu.memory_space<semaphore_mem>>
    %dma_wait3A_202 = tpu.memref_squeeze %dma_wait3A_201 : memref<1x!tpu.dma_semaphore, #tpu.memory_space<semaphore_mem>> -> memref<!tpu.dma_semaphore, #tpu.memory_space<semaphore_mem>>
    tpu.wait_indirect_dma semaphore(%dma_wait3A_202 : memref<!tpu.dma_semaphore, #tpu.memory_space<semaphore_mem>>) src(%dma_wait3A_200 : memref<100000x128xf32, #tpu.memory_space<hbm>>) dst(%dma_wait3A_194 : memref<64x128xf32, #tpu.memory_space<vmem>>)
    %dma_start3A_203 = arith.constant 1 : i32
    %dma_start3A_204 = arith.constant 1 : i32
    %dma_start3A_205 = arith.constant 0 : i32
    %dma_start3A_206 = arith.constant 0 : i32
    %dma_start3A_207 = tpu.memref_slice %arg9[%dma_start3A_203, %dma_start3A_205, %dma_start3A_206] : memref<2x64x128xf32, #tpu.memory_space<vmem>> -> memref<1x64x128xf32, #tpu.memory_space<vmem>>
    %dma_start3A_208 = tpu.memref_squeeze %dma_start3A_207 : memref<1x64x128xf32, #tpu.memory_space<vmem>> -> memref<64x128xf32, #tpu.memory_space<vmem>>
    %dma_start3A_209 = arith.constant 64 : i32
    %dma_start3A_210 = tpu.memref_slice %arg7[%dma_start3A_209] : memref<128xi32, #tpu.memory_space<vmem>> -> memref<64xi32, #tpu.memory_space<vmem>>
    %dma_start3A_211 = arith.constant 0 : i32
    %dma_start3A_212 = arith.constant 0 : i32
    %dma_start3A_213 = tpu.memref_slice %arg4[%dma_start3A_211, %dma_start3A_212] : memref<100000x128xf32, #tpu.memory_space<hbm>> -> memref<100000x128xf32, #tpu.memory_space<hbm>>
    %dma_start3A_214 = tpu.memref_slice %arg12[%dma_start3A_204] : memref<3x!tpu.dma_semaphore, #tpu.memory_space<semaphore_mem>> -> memref<1x!tpu.dma_semaphore, #tpu.memory_space<semaphore_mem>>
    %dma_start3A_215 = tpu.memref_squeeze %dma_start3A_214 : memref<1x!tpu.dma_semaphore, #tpu.memory_space<semaphore_mem>> -> memref<!tpu.dma_semaphore, #tpu.memory_space<semaphore_mem>>
    tpu.enqueue_indirect_dma source(%dma_start3A_213 : memref<100000x128xf32, #tpu.memory_space<hbm>>) target(%dma_start3A_208 : memref<64x128xf32, #tpu.memory_space<vmem>>) offsets(%dma_start3A_210 : memref<64xi32, #tpu.memory_space<vmem>>) semaphore(%dma_start3A_215 : memref<!tpu.dma_semaphore, #tpu.memory_space<semaphore_mem>>)
    %dma_start3A_216 = arith.constant 0 : i32
    %dma_start3A_217 = arith.constant 1 : i32
    %dma_start3A_218 = arith.constant 1 : i32
    %dma_start3A_219 = arith.constant 0 : i32
    %dma_start3A_220 = arith.constant 0 : i32
    %dma_start3A_221 = tpu.memref_slice %arg10[%dma_start3A_217, %dma_start3A_219, %dma_start3A_220] : memref<2x320x128xf32, #tpu.memory_space<vmem>> -> memref<1x64x128xf32, #tpu.memory_space<vmem>>
    %dma_start3A_222 = tpu.memref_squeeze %dma_start3A_221 : memref<1x64x128xf32, #tpu.memory_space<vmem>> -> memref<64x128xf32, #tpu.memory_space<vmem>>
    %dma_start3A_223 = arith.constant 64 : i32
    %dma_start3A_224 = tpu.memref_slice %arg8[%dma_start3A_216, %dma_start3A_223] : memref<5x128xi32, #tpu.memory_space<vmem>> -> memref<1x64xi32, #tpu.memory_space<vmem>>
    %dma_start3A_225 = tpu.memref_squeeze %dma_start3A_224 : memref<1x64xi32, #tpu.memory_space<vmem>> -> memref<64xi32, #tpu.memory_space<vmem>>
    %dma_start3A_226 = arith.constant 0 : i32
    %dma_start3A_227 = arith.constant 0 : i32
    %dma_start3A_228 = tpu.memref_slice %arg5[%dma_start3A_226, %dma_start3A_227] : memref<100000x128xf32, #tpu.memory_space<hbm>> -> memref<100000x128xf32, #tpu.memory_space<hbm>>
    %dma_start3A_229 = tpu.memref_slice %arg12[%dma_start3A_218] : memref<3x!tpu.dma_semaphore, #tpu.memory_space<semaphore_mem>> -> memref<1x!tpu.dma_semaphore, #tpu.memory_space<semaphore_mem>>
    %dma_start3A_230 = tpu.memref_squeeze %dma_start3A_229 : memref<1x!tpu.dma_semaphore, #tpu.memory_space<semaphore_mem>> -> memref<!tpu.dma_semaphore, #tpu.memory_space<semaphore_mem>>
    tpu.enqueue_indirect_dma source(%dma_start3A_228 : memref<100000x128xf32, #tpu.memory_space<hbm>>) target(%dma_start3A_222 : memref<64x128xf32, #tpu.memory_space<vmem>>) offsets(%dma_start3A_225 : memref<64xi32, #tpu.memory_space<vmem>>) semaphore(%dma_start3A_230 : memref<!tpu.dma_semaphore, #tpu.memory_space<semaphore_mem>>)
    %dma_start3A_231 = arith.constant 1 : i32
    %dma_start3A_232 = arith.constant 1 : i32
    %dma_start3A_233 = arith.constant 1 : i32
    %dma_start3A_234 = arith.constant 64 : i32
    %dma_start3A_235 = arith.constant 0 : i32
    %dma_start3A_236 = tpu.memref_slice %arg10[%dma_start3A_232, %dma_start3A_234, %dma_start3A_235] : memref<2x320x128xf32, #tpu.memory_space<vmem>> -> memref<1x64x128xf32, #tpu.memory_space<vmem>>
    %dma_start3A_237 = tpu.memref_squeeze %dma_start3A_236 : memref<1x64x128xf32, #tpu.memory_space<vmem>> -> memref<64x128xf32, #tpu.memory_space<vmem>>
    %dma_start3A_238 = arith.constant 64 : i32
    %dma_start3A_239 = tpu.memref_slice %arg8[%dma_start3A_231, %dma_start3A_238] : memref<5x128xi32, #tpu.memory_space<vmem>> -> memref<1x64xi32, #tpu.memory_space<vmem>>
    %dma_start3A_240 = tpu.memref_squeeze %dma_start3A_239 : memref<1x64xi32, #tpu.memory_space<vmem>> -> memref<64xi32, #tpu.memory_space<vmem>>
    %dma_start3A_241 = arith.constant 0 : i32
    %dma_start3A_242 = arith.constant 0 : i32
    %dma_start3A_243 = tpu.memref_slice %arg5[%dma_start3A_241, %dma_start3A_242] : memref<100000x128xf32, #tpu.memory_space<hbm>> -> memref<100000x128xf32, #tpu.memory_space<hbm>>
    %dma_start3A_244 = tpu.memref_slice %arg12[%dma_start3A_233] : memref<3x!tpu.dma_semaphore, #tpu.memory_space<semaphore_mem>> -> memref<1x!tpu.dma_semaphore, #tpu.memory_space<semaphore_mem>>
    %dma_start3A_245 = tpu.memref_squeeze %dma_start3A_244 : memref<1x!tpu.dma_semaphore, #tpu.memory_space<semaphore_mem>> -> memref<!tpu.dma_semaphore, #tpu.memory_space<semaphore_mem>>
    tpu.enqueue_indirect_dma source(%dma_start3A_243 : memref<100000x128xf32, #tpu.memory_space<hbm>>) target(%dma_start3A_237 : memref<64x128xf32, #tpu.memory_space<vmem>>) offsets(%dma_start3A_240 : memref<64xi32, #tpu.memory_space<vmem>>) semaphore(%dma_start3A_245 : memref<!tpu.dma_semaphore, #tpu.memory_space<semaphore_mem>>)
    %dma_start3A_246 = arith.constant 2 : i32
    %dma_start3A_247 = arith.constant 1 : i32
    %dma_start3A_248 = arith.constant 1 : i32
    %dma_start3A_249 = arith.constant 128 : i32
    %dma_start3A_250 = arith.constant 0 : i32
    %dma_start3A_251 = tpu.memref_slice %arg10[%dma_start3A_247, %dma_start3A_249, %dma_start3A_250] : memref<2x320x128xf32, #tpu.memory_space<vmem>> -> memref<1x64x128xf32, #tpu.memory_space<vmem>>
    %dma_start3A_252 = tpu.memref_squeeze %dma_start3A_251 : memref<1x64x128xf32, #tpu.memory_space<vmem>> -> memref<64x128xf32, #tpu.memory_space<vmem>>
    %dma_start3A_253 = arith.constant 64 : i32
    %dma_start3A_254 = tpu.memref_slice %arg8[%dma_start3A_246, %dma_start3A_253] : memref<5x128xi32, #tpu.memory_space<vmem>> -> memref<1x64xi32, #tpu.memory_space<vmem>>
    %dma_start3A_255 = tpu.memref_squeeze %dma_start3A_254 : memref<1x64xi32, #tpu.memory_space<vmem>> -> memref<64xi32, #tpu.memory_space<vmem>>
    %dma_start3A_256 = arith.constant 0 : i32
    %dma_start3A_257 = arith.constant 0 : i32
    %dma_start3A_258 = tpu.memref_slice %arg5[%dma_start3A_256, %dma_start3A_257] : memref<100000x128xf32, #tpu.memory_space<hbm>> -> memref<100000x128xf32, #tpu.memory_space<hbm>>
    %dma_start3A_259 = tpu.memref_slice %arg12[%dma_start3A_248] : memref<3x!tpu.dma_semaphore, #tpu.memory_space<semaphore_mem>> -> memref<1x!tpu.dma_semaphore, #tpu.memory_space<semaphore_mem>>
    %dma_start3A_260 = tpu.memref_squeeze %dma_start3A_259 : memref<1x!tpu.dma_semaphore, #tpu.memory_space<semaphore_mem>> -> memref<!tpu.dma_semaphore, #tpu.memory_space<semaphore_mem>>
    tpu.enqueue_indirect_dma source(%dma_start3A_258 : memref<100000x128xf32, #tpu.memory_space<hbm>>) target(%dma_start3A_252 : memref<64x128xf32, #tpu.memory_space<vmem>>) offsets(%dma_start3A_255 : memref<64xi32, #tpu.memory_space<vmem>>) semaphore(%dma_start3A_260 : memref<!tpu.dma_semaphore, #tpu.memory_space<semaphore_mem>>)
    %dma_start3A_261 = arith.constant 3 : i32
    %dma_start3A_262 = arith.constant 1 : i32
    %dma_start3A_263 = arith.constant 1 : i32
    %dma_start3A_264 = arith.constant 192 : i32
    %dma_start3A_265 = arith.constant 0 : i32
    %dma_start3A_266 = tpu.memref_slice %arg10[%dma_start3A_262, %dma_start3A_264, %dma_start3A_265] : memref<2x320x128xf32, #tpu.memory_space<vmem>> -> memref<1x64x128xf32, #tpu.memory_space<vmem>>
    %dma_start3A_267 = tpu.memref_squeeze %dma_start3A_266 : memref<1x64x128xf32, #tpu.memory_space<vmem>> -> memref<64x128xf32, #tpu.memory_space<vmem>>
    %dma_start3A_268 = arith.constant 64 : i32
    %dma_start3A_269 = tpu.memref_slice %arg8[%dma_start3A_261, %dma_start3A_268] : memref<5x128xi32, #tpu.memory_space<vmem>> -> memref<1x64xi32, #tpu.memory_space<vmem>>
    %dma_start3A_270 = tpu.memref_squeeze %dma_start3A_269 : memref<1x64xi32, #tpu.memory_space<vmem>> -> memref<64xi32, #tpu.memory_space<vmem>>
    %dma_start3A_271 = arith.constant 0 : i32
    %dma_start3A_272 = arith.constant 0 : i32
    %dma_start3A_273 = tpu.memref_slice %arg5[%dma_start3A_271, %dma_start3A_272] : memref<100000x128xf32, #tpu.memory_space<hbm>> -> memref<100000x128xf32, #tpu.memory_space<hbm>>
    %dma_start3A_274 = tpu.memref_slice %arg12[%dma_start3A_263] : memref<3x!tpu.dma_semaphore, #tpu.memory_space<semaphore_mem>> -> memref<1x!tpu.dma_semaphore, #tpu.memory_space<semaphore_mem>>
    %dma_start3A_275 = tpu.memref_squeeze %dma_start3A_274 : memref<1x!tpu.dma_semaphore, #tpu.memory_space<semaphore_mem>> -> memref<!tpu.dma_semaphore, #tpu.memory_space<semaphore_mem>>
    tpu.enqueue_indirect_dma source(%dma_start3A_273 : memref<100000x128xf32, #tpu.memory_space<hbm>>) target(%dma_start3A_267 : memref<64x128xf32, #tpu.memory_space<vmem>>) offsets(%dma_start3A_270 : memref<64xi32, #tpu.memory_space<vmem>>) semaphore(%dma_start3A_275 : memref<!tpu.dma_semaphore, #tpu.memory_space<semaphore_mem>>)
    %dma_start3A_276 = arith.constant 4 : i32
    %dma_start3A_277 = arith.constant 1 : i32
    %dma_start3A_278 = arith.constant 1 : i32
    %dma_start3A_279 = arith.constant 256 : i32
    %dma_start3A_280 = arith.constant 0 : i32
    %dma_start3A_281 = tpu.memref_slice %arg10[%dma_start3A_277, %dma_start3A_279, %dma_start3A_280] : memref<2x320x128xf32, #tpu.memory_space<vmem>> -> memref<1x64x128xf32, #tpu.memory_space<vmem>>
    %dma_start3A_282 = tpu.memref_squeeze %dma_start3A_281 : memref<1x64x128xf32, #tpu.memory_space<vmem>> -> memref<64x128xf32, #tpu.memory_space<vmem>>
    %dma_start3A_283 = arith.constant 64 : i32
    %dma_start3A_284 = tpu.memref_slice %arg8[%dma_start3A_276, %dma_start3A_283] : memref<5x128xi32, #tpu.memory_space<vmem>> -> memref<1x64xi32, #tpu.memory_space<vmem>>
    %dma_start3A_285 = tpu.memref_squeeze %dma_start3A_284 : memref<1x64xi32, #tpu.memory_space<vmem>> -> memref<64xi32, #tpu.memory_space<vmem>>
    %dma_start3A_286 = arith.constant 0 : i32
    %dma_start3A_287 = arith.constant 0 : i32
    %dma_start3A_288 = tpu.memref_slice %arg5[%dma_start3A_286, %dma_start3A_287] : memref<100000x128xf32, #tpu.memory_space<hbm>> -> memref<100000x128xf32, #tpu.memory_space<hbm>>
    %dma_start3A_289 = tpu.memref_slice %arg12[%dma_start3A_278] : memref<3x!tpu.dma_semaphore, #tpu.memory_space<semaphore_mem>> -> memref<1x!tpu.dma_semaphore, #tpu.memory_space<semaphore_mem>>
    %dma_start3A_290 = tpu.memref_squeeze %dma_start3A_289 : memref<1x!tpu.dma_semaphore, #tpu.memory_space<semaphore_mem>> -> memref<!tpu.dma_semaphore, #tpu.memory_space<semaphore_mem>>
    tpu.enqueue_indirect_dma source(%dma_start3A_288 : memref<100000x128xf32, #tpu.memory_space<hbm>>) target(%dma_start3A_282 : memref<64x128xf32, #tpu.memory_space<vmem>>) offsets(%dma_start3A_285 : memref<64xi32, #tpu.memory_space<vmem>>) semaphore(%dma_start3A_290 : memref<!tpu.dma_semaphore, #tpu.memory_space<semaphore_mem>>)
    %scan3A = arith.constant 0 : i32
    %scan3A_291 = arith.constant 64 : i32
    %scan3A_292 = arith.addi %scan3A, %scan3A_291 : i32
    %scan3A_293 = arith.constant 1 : i32
    scf.for %scan3A_432 = %scan3A to %scan3A_292 step %scan3A_293  : i32 {
      %mul3A_433 = arith.constant 1 : i32
      %mul3A_434 = arith.muli %scan3A_432, %mul3A_433 : i32
      %add3A_435 = arith.constant 0 : i32
      %add3A_436 = arith.addi %add3A_435, %mul3A_434 : i32
      %get3A = arith.constant 0 : i32
      %get3A_437 = arith.index_cast %get3A : i32 to index
      %get3A_438 = arith.index_cast %add3A_436 : i32 to index
      %get3A_439 = arith.constant 0 : index
      %get3A_440 = tpu.vector_load %arg9[%get3A_437, %get3A_438, %get3A_439] {strides = array<i32>} : memref<2x64x128xf32, #tpu.memory_space<vmem>>, vector<16xf32>,
      %get3A_441 = arith.constant 0 : i32
      %get3A_442 = arith.index_cast %get3A_441 : i32 to index
      %get3A_443 = arith.index_cast %add3A_436 : i32 to index
      %get3A_444 = arith.constant 16 : index
      %get3A_445 = tpu.vector_load %arg9[%get3A_442, %get3A_443, %get3A_444] {strides = array<i32>} : memref<2x64x128xf32, #tpu.memory_space<vmem>>, vector<16xf32>,
      %get3A_446 = arith.constant 0 : i32
      %get3A_447 = arith.index_cast %get3A_446 : i32 to index
      %get3A_448 = arith.index_cast %add3A_436 : i32 to index
      %get3A_449 = arith.constant 32 : index
      %get3A_450 = tpu.vector_load %arg9[%get3A_447, %get3A_448, %get3A_449] {strides = array<i32>} : memref<2x64x128xf32, #tpu.memory_space<vmem>>, vector<16xf32>,
      %get3A_451 = arith.constant 0 : i32
      %get3A_452 = arith.index_cast %get3A_451 : i32 to index
      %get3A_453 = arith.index_cast %add3A_436 : i32 to index
      %get3A_454 = arith.constant 48 : index
      %get3A_455 = tpu.vector_load %arg9[%get3A_452, %get3A_453, %get3A_454] {strides = array<i32>} : memref<2x64x128xf32, #tpu.memory_space<vmem>>, vector<16xf32>,
      %get3A_456 = arith.constant 0 : i32
      %get3A_457 = arith.index_cast %get3A_456 : i32 to index
      %get3A_458 = arith.index_cast %add3A_436 : i32 to index
      %get3A_459 = arith.constant 64 : index
      %get3A_460 = tpu.vector_load %arg9[%get3A_457, %get3A_458, %get3A_459] {strides = array<i32>} : memref<2x64x128xf32, #tpu.memory_space<vmem>>, vector<16xf32>,
      %get3A_461 = arith.constant 0 : i32
      %get3A_462 = arith.index_cast %get3A_461 : i32 to index
      %get3A_463 = arith.index_cast %add3A_436 : i32 to index
      %get3A_464 = arith.constant 80 : index
      %get3A_465 = tpu.vector_load %arg9[%get3A_462, %get3A_463, %get3A_464] {strides = array<i32>} : memref<2x64x128xf32, #tpu.memory_space<vmem>>, vector<16xf32>,
      %get3A_466 = arith.constant 0 : i32
      %get3A_467 = arith.index_cast %get3A_466 : i32 to index
      %get3A_468 = arith.index_cast %add3A_436 : i32 to index
      %get3A_469 = arith.constant 96 : index
      %get3A_470 = tpu.vector_load %arg9[%get3A_467, %get3A_468, %get3A_469] {strides = array<i32>} : memref<2x64x128xf32, #tpu.memory_space<vmem>>, vector<16xf32>,
      %get3A_471 = arith.constant 0 : i32
      %get3A_472 = arith.index_cast %get3A_471 : i32 to index
      %get3A_473 = arith.index_cast %add3A_436 : i32 to index
      %get3A_474 = arith.constant 112 : index
      %get3A_475 = tpu.vector_load %arg9[%get3A_472, %get3A_473, %get3A_474] {strides = array<i32>} : memref<2x64x128xf32, #tpu.memory_space<vmem>>, vector<16xf32>,
      %add3A_476 = arith.constant 0 : i32
      %add3A_477 = arith.addi %add3A_476, %add3A_436 : i32
      %get3A_478 = arith.constant 0 : i32
      %get3A_479 = arith.index_cast %get3A_478 : i32 to index
      %get3A_480 = arith.index_cast %add3A_477 : i32 to index
      %get3A_481 = arith.constant 0 : index
      %get3A_482 = tpu.vector_load %arg10[%get3A_479, %get3A_480, %get3A_481] {strides = array<i32>} : memref<2x320x128xf32, #tpu.memory_space<vmem>>, vector<16xf32>,
      %mul3A_483 = arith.mulf %get3A_440, %get3A_482 : vector<16xf32>
      %add3A_484 = arith.constant 0 : i32
      %add3A_485 = arith.addi %add3A_484, %add3A_436 : i32
      %get3A_486 = arith.constant 0 : i32
      %get3A_487 = arith.index_cast %get3A_486 : i32 to index
      %get3A_488 = arith.index_cast %add3A_485 : i32 to index
      %get3A_489 = arith.constant 16 : index
      %get3A_490 = tpu.vector_load %arg10[%get3A_487, %get3A_488, %get3A_489] {strides = array<i32>} : memref<2x320x128xf32, #tpu.memory_space<vmem>>, vector<16xf32>,
      %mul3A_491 = arith.mulf %get3A_445, %get3A_490 : vector<16xf32>
      %add3A_492 = arith.constant 0 : i32
      %add3A_493 = arith.addi %add3A_492, %add3A_436 : i32
      %get3A_494 = arith.constant 0 : i32
      %get3A_495 = arith.index_cast %get3A_494 : i32 to index
      %get3A_496 = arith.index_cast %add3A_493 : i32 to index
      %get3A_497 = arith.constant 32 : index
      %get3A_498 = tpu.vector_load %arg10[%get3A_495, %get3A_496, %get3A_497] {strides = array<i32>} : memref<2x320x128xf32, #tpu.memory_space<vmem>>, vector<16xf32>,
      %mul3A_499 = arith.mulf %get3A_450, %get3A_498 : vector<16xf32>
      %add3A_500 = arith.constant 0 : i32
      %add3A_501 = arith.addi %add3A_500, %add3A_436 : i32
      %get3A_502 = arith.constant 0 : i32
      %get3A_503 = arith.index_cast %get3A_502 : i32 to index
      %get3A_504 = arith.index_cast %add3A_501 : i32 to index
      %get3A_505 = arith.constant 48 : index
      %get3A_506 = tpu.vector_load %arg10[%get3A_503, %get3A_504, %get3A_505] {strides = array<i32>} : memref<2x320x128xf32, #tpu.memory_space<vmem>>, vector<16xf32>,
      %mul3A_507 = arith.mulf %get3A_455, %get3A_506 : vector<16xf32>
      %add3A_508 = arith.constant 0 : i32
      %add3A_509 = arith.addi %add3A_508, %add3A_436 : i32
      %get3A_510 = arith.constant 0 : i32
      %get3A_511 = arith.index_cast %get3A_510 : i32 to index
      %get3A_512 = arith.index_cast %add3A_509 : i32 to index
      %get3A_513 = arith.constant 64 : index
      %get3A_514 = tpu.vector_load %arg10[%get3A_511, %get3A_512, %get3A_513] {strides = array<i32>} : memref<2x320x128xf32, #tpu.memory_space<vmem>>, vector<16xf32>,
      %mul3A_515 = arith.mulf %get3A_460, %get3A_514 : vector<16xf32>
      %add3A_516 = arith.constant 0 : i32
      %add3A_517 = arith.addi %add3A_516, %add3A_436 : i32
      %get3A_518 = arith.constant 0 : i32
      %get3A_519 = arith.index_cast %get3A_518 : i32 to index
      %get3A_520 = arith.index_cast %add3A_517 : i32 to index
      %get3A_521 = arith.constant 80 : index
      %get3A_522 = tpu.vector_load %arg10[%get3A_519, %get3A_520, %get3A_521] {strides = array<i32>} : memref<2x320x128xf32, #tpu.memory_space<vmem>>, vector<16xf32>,
      %mul3A_523 = arith.mulf %get3A_465, %get3A_522 : vector<16xf32>
      %add3A_524 = arith.constant 0 : i32
      %add3A_525 = arith.addi %add3A_524, %add3A_436 : i32
      %get3A_526 = arith.constant 0 : i32
      %get3A_527 = arith.index_cast %get3A_526 : i32 to index
      %get3A_528 = arith.index_cast %add3A_525 : i32 to index
      %get3A_529 = arith.constant 96 : index
      %get3A_530 = tpu.vector_load %arg10[%get3A_527, %get3A_528, %get3A_529] {strides = array<i32>} : memref<2x320x128xf32, #tpu.memory_space<vmem>>, vector<16xf32>,
      %mul3A_531 = arith.mulf %get3A_470, %get3A_530 : vector<16xf32>
      %add3A_532 = arith.constant 0 : i32
      %add3A_533 = arith.addi %add3A_532, %add3A_436 : i32
      %get3A_534 = arith.constant 0 : i32
      %get3A_535 = arith.index_cast %get3A_534 : i32 to index
      %get3A_536 = arith.index_cast %add3A_533 : i32 to index
      %get3A_537 = arith.constant 112 : index
      %get3A_538 = tpu.vector_load %arg10[%get3A_535, %get3A_536, %get3A_537] {strides = array<i32>} : memref<2x320x128xf32, #tpu.memory_space<vmem>>, vector<16xf32>,
      %mul3A_539 = arith.mulf %get3A_475, %get3A_538 : vector<16xf32>
      %add3A_540 = arith.addf %mul3A_483, %mul3A_491 : vector<16xf32>
      %add3A_541 = arith.addf %mul3A_499, %mul3A_507 : vector<16xf32>
      %add3A_542 = arith.addf %mul3A_515, %mul3A_523 : vector<16xf32>
      %add3A_543 = arith.addf %mul3A_531, %mul3A_539 : vector<16xf32>
      %add3A_544 = arith.addf %add3A_540, %add3A_541 : vector<16xf32>
      %add3A_545 = arith.addf %add3A_542, %add3A_543 : vector<16xf32>
      %add3A_546 = arith.addf %add3A_544, %add3A_545 : vector<16xf32>
      %add3A_547 = arith.constant 64 : i32
      %add3A_548 = arith.addi %add3A_547, %add3A_436 : i32
      %get3A_549 = arith.constant 0 : i32
      %get3A_550 = arith.index_cast %get3A_549 : i32 to index
      %get3A_551 = arith.index_cast %add3A_548 : i32 to index
      %get3A_552 = arith.constant 0 : index
      %get3A_553 = tpu.vector_load %arg10[%get3A_550, %get3A_551, %get3A_552] {strides = array<i32>} : memref<2x320x128xf32, #tpu.memory_space<vmem>>, vector<16xf32>,
      %mul3A_554 = arith.mulf %get3A_440, %get3A_553 : vector<16xf32>
      %add3A_555 = arith.constant 64 : i32
      %add3A_556 = arith.addi %add3A_555, %add3A_436 : i32
      %get3A_557 = arith.constant 0 : i32
      %get3A_558 = arith.index_cast %get3A_557 : i32 to index
      %get3A_559 = arith.index_cast %add3A_556 : i32 to index
      %get3A_560 = arith.constant 16 : index
      %get3A_561 = tpu.vector_load %arg10[%get3A_558, %get3A_559, %get3A_560] {strides = array<i32>} : memref<2x320x128xf32, #tpu.memory_space<vmem>>, vector<16xf32>,
      %mul3A_562 = arith.mulf %get3A_445, %get3A_561 : vector<16xf32>
      %add3A_563 = arith.constant 64 : i32
      %add3A_564 = arith.addi %add3A_563, %add3A_436 : i32
      %get3A_565 = arith.constant 0 : i32
      %get3A_566 = arith.index_cast %get3A_565 : i32 to index
      %get3A_567 = arith.index_cast %add3A_564 : i32 to index
      %get3A_568 = arith.constant 32 : index
      %get3A_569 = tpu.vector_load %arg10[%get3A_566, %get3A_567, %get3A_568] {strides = array<i32>} : memref<2x320x128xf32, #tpu.memory_space<vmem>>, vector<16xf32>,
      %mul3A_570 = arith.mulf %get3A_450, %get3A_569 : vector<16xf32>
      %add3A_571 = arith.constant 64 : i32
      %add3A_572 = arith.addi %add3A_571, %add3A_436 : i32
      %get3A_573 = arith.constant 0 : i32
      %get3A_574 = arith.index_cast %get3A_573 : i32 to index
      %get3A_575 = arith.index_cast %add3A_572 : i32 to index
      %get3A_576 = arith.constant 48 : index
      %get3A_577 = tpu.vector_load %arg10[%get3A_574, %get3A_575, %get3A_576] {strides = array<i32>} : memref<2x320x128xf32, #tpu.memory_space<vmem>>, vector<16xf32>,
      %mul3A_578 = arith.mulf %get3A_455, %get3A_577 : vector<16xf32>
      %add3A_579 = arith.constant 64 : i32
      %add3A_580 = arith.addi %add3A_579, %add3A_436 : i32
      %get3A_581 = arith.constant 0 : i32
      %get3A_582 = arith.index_cast %get3A_581 : i32 to index
      %get3A_583 = arith.index_cast %add3A_580 : i32 to index
      %get3A_584 = arith.constant 64 : index
      %get3A_585 = tpu.vector_load %arg10[%get3A_582, %get3A_583, %get3A_584] {strides = array<i32>} : memref<2x320x128xf32, #tpu.memory_space<vmem>>, vector<16xf32>,
      %mul3A_586 = arith.mulf %get3A_460, %get3A_585 : vector<16xf32>
      %add3A_587 = arith.constant 64 : i32
      %add3A_588 = arith.addi %add3A_587, %add3A_436 : i32
      %get3A_589 = arith.constant 0 : i32
      %get3A_590 = arith.index_cast %get3A_589 : i32 to index
      %get3A_591 = arith.index_cast %add3A_588 : i32 to index
      %get3A_592 = arith.constant 80 : index
      %get3A_593 = tpu.vector_load %arg10[%get3A_590, %get3A_591, %get3A_592] {strides = array<i32>} : memref<2x320x128xf32, #tpu.memory_space<vmem>>, vector<16xf32>,
      %mul3A_594 = arith.mulf %get3A_465, %get3A_593 : vector<16xf32>
      %add3A_595 = arith.constant 64 : i32
      %add3A_596 = arith.addi %add3A_595, %add3A_436 : i32
      %get3A_597 = arith.constant 0 : i32
      %get3A_598 = arith.index_cast %get3A_597 : i32 to index
      %get3A_599 = arith.index_cast %add3A_596 : i32 to index
      %get3A_600 = arith.constant 96 : index
      %get3A_601 = tpu.vector_load %arg10[%get3A_598, %get3A_599, %get3A_600] {strides = array<i32>} : memref<2x320x128xf32, #tpu.memory_space<vmem>>, vector<16xf32>,
      %mul3A_602 = arith.mulf %get3A_470, %get3A_601 : vector<16xf32>
      %add3A_603 = arith.constant 64 : i32
      %add3A_604 = arith.addi %add3A_603, %add3A_436 : i32
      %get3A_605 = arith.constant 0 : i32
      %get3A_606 = arith.index_cast %get3A_605 : i32 to index
      %get3A_607 = arith.index_cast %add3A_604 : i32 to index
      %get3A_608 = arith.constant 112 : index
      %get3A_609 = tpu.vector_load %arg10[%get3A_606, %get3A_607, %get3A_608] {strides = array<i32>} : memref<2x320x128xf32, #tpu.memory_space<vmem>>, vector<16xf32>,
      %mul3A_610 = arith.mulf %get3A_475, %get3A_609 : vector<16xf32>
      %add3A_611 = arith.addf %mul3A_554, %mul3A_562 : vector<16xf32>
      %add3A_612 = arith.addf %mul3A_570, %mul3A_578 : vector<16xf32>
      %add3A_613 = arith.addf %mul3A_586, %mul3A_594 : vector<16xf32>
      %add3A_614 = arith.addf %mul3A_602, %mul3A_610 : vector<16xf32>
      %add3A_615 = arith.addf %add3A_611, %add3A_612 : vector<16xf32>
      %add3A_616 = arith.addf %add3A_613, %add3A_614 : vector<16xf32>
      %add3A_617 = arith.addf %add3A_615, %add3A_616 : vector<16xf32>
      %add3A_618 = arith.constant 128 : i32
      %add3A_619 = arith.addi %add3A_618, %add3A_436 : i32
      %get3A_620 = arith.constant 0 : i32
      %get3A_621 = arith.index_cast %get3A_620 : i32 to index
      %get3A_622 = arith.index_cast %add3A_619 : i32 to index
      %get3A_623 = arith.constant 0 : index
      %get3A_624 = tpu.vector_load %arg10[%get3A_621, %get3A_622, %get3A_623] {strides = array<i32>} : memref<2x320x128xf32, #tpu.memory_space<vmem>>, vector<16xf32>,
      %mul3A_625 = arith.mulf %get3A_440, %get3A_624 : vector<16xf32>
      %add3A_626 = arith.constant 128 : i32
      %add3A_627 = arith.addi %add3A_626, %add3A_436 : i32
      %get3A_628 = arith.constant 0 : i32
      %get3A_629 = arith.index_cast %get3A_628 : i32 to index
      %get3A_630 = arith.index_cast %add3A_627 : i32 to index
      %get3A_631 = arith.constant 16 : index
      %get3A_632 = tpu.vector_load %arg10[%get3A_629, %get3A_630, %get3A_631] {strides = array<i32>} : memref<2x320x128xf32, #tpu.memory_space<vmem>>, vector<16xf32>,
      %mul3A_633 = arith.mulf %get3A_445, %get3A_632 : vector<16xf32>
      %add3A_634 = arith.constant 128 : i32
      %add3A_635 = arith.addi %add3A_634, %add3A_436 : i32
      %get3A_636 = arith.constant 0 : i32
      %get3A_637 = arith.index_cast %get3A_636 : i32 to index
      %get3A_638 = arith.index_cast %add3A_635 : i32 to index
      %get3A_639 = arith.constant 32 : index
      %get3A_640 = tpu.vector_load %arg10[%get3A_637, %get3A_638, %get3A_639] {strides = array<i32>} : memref<2x320x128xf32, #tpu.memory_space<vmem>>, vector<16xf32>,
      %mul3A_641 = arith.mulf %get3A_450, %get3A_640 : vector<16xf32>
      %add3A_642 = arith.constant 128 : i32
      %add3A_643 = arith.addi %add3A_642, %add3A_436 : i32
      %get3A_644 = arith.constant 0 : i32
      %get3A_645 = arith.index_cast %get3A_644 : i32 to index
      %get3A_646 = arith.index_cast %add3A_643 : i32 to index
      %get3A_647 = arith.constant 48 : index
      %get3A_648 = tpu.vector_load %arg10[%get3A_645, %get3A_646, %get3A_647] {strides = array<i32>} : memref<2x320x128xf32, #tpu.memory_space<vmem>>, vector<16xf32>,
      %mul3A_649 = arith.mulf %get3A_455, %get3A_648 : vector<16xf32>
      %add3A_650 = arith.constant 128 : i32
      %add3A_651 = arith.addi %add3A_650, %add3A_436 : i32
      %get3A_652 = arith.constant 0 : i32
      %get3A_653 = arith.index_cast %get3A_652 : i32 to index
      %get3A_654 = arith.index_cast %add3A_651 : i32 to index
      %get3A_655 = arith.constant 64 : index
      %get3A_656 = tpu.vector_load %arg10[%get3A_653, %get3A_654, %get3A_655] {strides = array<i32>} : memref<2x320x128xf32, #tpu.memory_space<vmem>>, vector<16xf32>,
      %mul3A_657 = arith.mulf %get3A_460, %get3A_656 : vector<16xf32>
      %add3A_658 = arith.constant 128 : i32
      %add3A_659 = arith.addi %add3A_658, %add3A_436 : i32
      %get3A_660 = arith.constant 0 : i32
      %get3A_661 = arith.index_cast %get3A_660 : i32 to index
      %get3A_662 = arith.index_cast %add3A_659 : i32 to index
      %get3A_663 = arith.constant 80 : index
      %get3A_664 = tpu.vector_load %arg10[%get3A_661, %get3A_662, %get3A_663] {strides = array<i32>} : memref<2x320x128xf32, #tpu.memory_space<vmem>>, vector<16xf32>,
      %mul3A_665 = arith.mulf %get3A_465, %get3A_664 : vector<16xf32>
      %add3A_666 = arith.constant 128 : i32
      %add3A_667 = arith.addi %add3A_666, %add3A_436 : i32
      %get3A_668 = arith.constant 0 : i32
      %get3A_669 = arith.index_cast %get3A_668 : i32 to index
      %get3A_670 = arith.index_cast %add3A_667 : i32 to index
      %get3A_671 = arith.constant 96 : index
      %get3A_672 = tpu.vector_load %arg10[%get3A_669, %get3A_670, %get3A_671] {strides = array<i32>} : memref<2x320x128xf32, #tpu.memory_space<vmem>>, vector<16xf32>,
      %mul3A_673 = arith.mulf %get3A_470, %get3A_672 : vector<16xf32>
      %add3A_674 = arith.constant 128 : i32
      %add3A_675 = arith.addi %add3A_674, %add3A_436 : i32
      %get3A_676 = arith.constant 0 : i32
      %get3A_677 = arith.index_cast %get3A_676 : i32 to index
      %get3A_678 = arith.index_cast %add3A_675 : i32 to index
      %get3A_679 = arith.constant 112 : index
      %get3A_680 = tpu.vector_load %arg10[%get3A_677, %get3A_678, %get3A_679] {strides = array<i32>} : memref<2x320x128xf32, #tpu.memory_space<vmem>>, vector<16xf32>,
      %mul3A_681 = arith.mulf %get3A_475, %get3A_680 : vector<16xf32>
      %add3A_682 = arith.addf %mul3A_625, %mul3A_633 : vector<16xf32>
      %add3A_683 = arith.addf %mul3A_641, %mul3A_649 : vector<16xf32>
      %add3A_684 = arith.addf %mul3A_657, %mul3A_665 : vector<16xf32>
      %add3A_685 = arith.addf %mul3A_673, %mul3A_681 : vector<16xf32>
      %add3A_686 = arith.addf %add3A_682, %add3A_683 : vector<16xf32>
      %add3A_687 = arith.addf %add3A_684, %add3A_685 : vector<16xf32>
      %add3A_688 = arith.addf %add3A_686, %add3A_687 : vector<16xf32>
      %add3A_689 = arith.constant 192 : i32
      %add3A_690 = arith.addi %add3A_689, %add3A_436 : i32
      %get3A_691 = arith.constant 0 : i32
      %get3A_692 = arith.index_cast %get3A_691 : i32 to index
      %get3A_693 = arith.index_cast %add3A_690 : i32 to index
      %get3A_694 = arith.constant 0 : index
      %get3A_695 = tpu.vector_load %arg10[%get3A_692, %get3A_693, %get3A_694] {strides = array<i32>} : memref<2x320x128xf32, #tpu.memory_space<vmem>>, vector<16xf32>,
      %mul3A_696 = arith.mulf %get3A_440, %get3A_695 : vector<16xf32>
      %add3A_697 = arith.constant 192 : i32
      %add3A_698 = arith.addi %add3A_697, %add3A_436 : i32
      %get3A_699 = arith.constant 0 : i32
      %get3A_700 = arith.index_cast %get3A_699 : i32 to index
      %get3A_701 = arith.index_cast %add3A_698 : i32 to index
      %get3A_702 = arith.constant 16 : index
      %get3A_703 = tpu.vector_load %arg10[%get3A_700, %get3A_701, %get3A_702] {strides = array<i32>} : memref<2x320x128xf32, #tpu.memory_space<vmem>>, vector<16xf32>,
      %mul3A_704 = arith.mulf %get3A_445, %get3A_703 : vector<16xf32>
      %add3A_705 = arith.constant 192 : i32
      %add3A_706 = arith.addi %add3A_705, %add3A_436 : i32
      %get3A_707 = arith.constant 0 : i32
      %get3A_708 = arith.index_cast %get3A_707 : i32 to index
      %get3A_709 = arith.index_cast %add3A_706 : i32 to index
      %get3A_710 = arith.constant 32 : index
      %get3A_711 = tpu.vector_load %arg10[%get3A_708, %get3A_709, %get3A_710] {strides = array<i32>} : memref<2x320x128xf32, #tpu.memory_space<vmem>>, vector<16xf32>,
      %mul3A_712 = arith.mulf %get3A_450, %get3A_711 : vector<16xf32>
      %add3A_713 = arith.constant 192 : i32
      %add3A_714 = arith.addi %add3A_713, %add3A_436 : i32
      %get3A_715 = arith.constant 0 : i32
      %get3A_716 = arith.index_cast %get3A_715 : i32 to index
      %get3A_717 = arith.index_cast %add3A_714 : i32 to index
      %get3A_718 = arith.constant 48 : index
      %get3A_719 = tpu.vector_load %arg10[%get3A_716, %get3A_717, %get3A_718] {strides = array<i32>} : memref<2x320x128xf32, #tpu.memory_space<vmem>>, vector<16xf32>,
      %mul3A_720 = arith.mulf %get3A_455, %get3A_719 : vector<16xf32>
      %add3A_721 = arith.constant 192 : i32
      %add3A_722 = arith.addi %add3A_721, %add3A_436 : i32
      %get3A_723 = arith.constant 0 : i32
      %get3A_724 = arith.index_cast %get3A_723 : i32 to index
      %get3A_725 = arith.index_cast %add3A_722 : i32 to index
      %get3A_726 = arith.constant 64 : index
      %get3A_727 = tpu.vector_load %arg10[%get3A_724, %get3A_725, %get3A_726] {strides = array<i32>} : memref<2x320x128xf32, #tpu.memory_space<vmem>>, vector<16xf32>,
      %mul3A_728 = arith.mulf %get3A_460, %get3A_727 : vector<16xf32>
      %add3A_729 = arith.constant 192 : i32
      %add3A_730 = arith.addi %add3A_729, %add3A_436 : i32
      %get3A_731 = arith.constant 0 : i32
      %get3A_732 = arith.index_cast %get3A_731 : i32 to index
      %get3A_733 = arith.index_cast %add3A_730 : i32 to index
      %get3A_734 = arith.constant 80 : index
      %get3A_735 = tpu.vector_load %arg10[%get3A_732, %get3A_733, %get3A_734] {strides = array<i32>} : memref<2x320x128xf32, #tpu.memory_space<vmem>>, vector<16xf32>,
      %mul3A_736 = arith.mulf %get3A_465, %get3A_735 : vector<16xf32>
      %add3A_737 = arith.constant 192 : i32
      %add3A_738 = arith.addi %add3A_737, %add3A_436 : i32
      %get3A_739 = arith.constant 0 : i32
      %get3A_740 = arith.index_cast %get3A_739 : i32 to index
      %get3A_741 = arith.index_cast %add3A_738 : i32 to index
      %get3A_742 = arith.constant 96 : index
      %get3A_743 = tpu.vector_load %arg10[%get3A_740, %get3A_741, %get3A_742] {strides = array<i32>} : memref<2x320x128xf32, #tpu.memory_space<vmem>>, vector<16xf32>,
      %mul3A_744 = arith.mulf %get3A_470, %get3A_743 : vector<16xf32>
      %add3A_745 = arith.constant 192 : i32
      %add3A_746 = arith.addi %add3A_745, %add3A_436 : i32
      %get3A_747 = arith.constant 0 : i32
      %get3A_748 = arith.index_cast %get3A_747 : i32 to index
      %get3A_749 = arith.index_cast %add3A_746 : i32 to index
      %get3A_750 = arith.constant 112 : index
      %get3A_751 = tpu.vector_load %arg10[%get3A_748, %get3A_749, %get3A_750] {strides = array<i32>} : memref<2x320x128xf32, #tpu.memory_space<vmem>>, vector<16xf32>,
      %mul3A_752 = arith.mulf %get3A_475, %get3A_751 : vector<16xf32>
      %add3A_753 = arith.addf %mul3A_696, %mul3A_704 : vector<16xf32>
      %add3A_754 = arith.addf %mul3A_712, %mul3A_720 : vector<16xf32>
      %add3A_755 = arith.addf %mul3A_728, %mul3A_736 : vector<16xf32>
      %add3A_756 = arith.addf %mul3A_744, %mul3A_752 : vector<16xf32>
      %add3A_757 = arith.addf %add3A_753, %add3A_754 : vector<16xf32>
      %add3A_758 = arith.addf %add3A_755, %add3A_756 : vector<16xf32>
      %add3A_759 = arith.addf %add3A_757, %add3A_758 : vector<16xf32>
      %add3A_760 = arith.constant 256 : i32
      %add3A_761 = arith.addi %add3A_760, %add3A_436 : i32
      %get3A_762 = arith.constant 0 : i32
      %get3A_763 = arith.index_cast %get3A_762 : i32 to index
      %get3A_764 = arith.index_cast %add3A_761 : i32 to index
      %get3A_765 = arith.constant 0 : index
      %get3A_766 = tpu.vector_load %arg10[%get3A_763, %get3A_764, %get3A_765] {strides = array<i32>} : memref<2x320x128xf32, #tpu.memory_space<vmem>>, vector<16xf32>,
      %mul3A_767 = arith.mulf %get3A_440, %get3A_766 : vector<16xf32>
      %add3A_768 = arith.constant 256 : i32
      %add3A_769 = arith.addi %add3A_768, %add3A_436 : i32
      %get3A_770 = arith.constant 0 : i32
      %get3A_771 = arith.index_cast %get3A_770 : i32 to index
      %get3A_772 = arith.index_cast %add3A_769 : i32 to index
      %get3A_773 = arith.constant 16 : index
      %get3A_774 = tpu.vector_load %arg10[%get3A_771, %get3A_772, %get3A_773] {strides = array<i32>} : memref<2x320x128xf32, #tpu.memory_space<vmem>>, vector<16xf32>,
      %mul3A_775 = arith.mulf %get3A_445, %get3A_774 : vector<16xf32>
      %add3A_776 = arith.constant 256 : i32
      %add3A_777 = arith.addi %add3A_776, %add3A_436 : i32
      %get3A_778 = arith.constant 0 : i32
      %get3A_779 = arith.index_cast %get3A_778 : i32 to index
      %get3A_780 = arith.index_cast %add3A_777 : i32 to index
      %get3A_781 = arith.constant 32 : index
      %get3A_782 = tpu.vector_load %arg10[%get3A_779, %get3A_780, %get3A_781] {strides = array<i32>} : memref<2x320x128xf32, #tpu.memory_space<vmem>>, vector<16xf32>,
      %mul3A_783 = arith.mulf %get3A_450, %get3A_782 : vector<16xf32>
      %add3A_784 = arith.constant 256 : i32
      %add3A_785 = arith.addi %add3A_784, %add3A_436 : i32
      %get3A_786 = arith.constant 0 : i32
      %get3A_787 = arith.index_cast %get3A_786 : i32 to index
      %get3A_788 = arith.index_cast %add3A_785 : i32 to index
      %get3A_789 = arith.constant 48 : index
      %get3A_790 = tpu.vector_load %arg10[%get3A_787, %get3A_788, %get3A_789] {strides = array<i32>} : memref<2x320x128xf32, #tpu.memory_space<vmem>>, vector<16xf32>,
      %mul3A_791 = arith.mulf %get3A_455, %get3A_790 : vector<16xf32>
      %add3A_792 = arith.constant 256 : i32
      %add3A_793 = arith.addi %add3A_792, %add3A_436 : i32
      %get3A_794 = arith.constant 0 : i32
      %get3A_795 = arith.index_cast %get3A_794 : i32 to index
      %get3A_796 = arith.index_cast %add3A_793 : i32 to index
      %get3A_797 = arith.constant 64 : index
      %get3A_798 = tpu.vector_load %arg10[%get3A_795, %get3A_796, %get3A_797] {strides = array<i32>} : memref<2x320x128xf32, #tpu.memory_space<vmem>>, vector<16xf32>,
      %mul3A_799 = arith.mulf %get3A_460, %get3A_798 : vector<16xf32>
      %add3A_800 = arith.constant 256 : i32
      %add3A_801 = arith.addi %add3A_800, %add3A_436 : i32
      %get3A_802 = arith.constant 0 : i32
      %get3A_803 = arith.index_cast %get3A_802 : i32 to index
      %get3A_804 = arith.index_cast %add3A_801 : i32 to index
      %get3A_805 = arith.constant 80 : index
      %get3A_806 = tpu.vector_load %arg10[%get3A_803, %get3A_804, %get3A_805] {strides = array<i32>} : memref<2x320x128xf32, #tpu.memory_space<vmem>>, vector<16xf32>,
      %mul3A_807 = arith.mulf %get3A_465, %get3A_806 : vector<16xf32>
      %add3A_808 = arith.constant 256 : i32
      %add3A_809 = arith.addi %add3A_808, %add3A_436 : i32
      %get3A_810 = arith.constant 0 : i32
      %get3A_811 = arith.index_cast %get3A_810 : i32 to index
      %get3A_812 = arith.index_cast %add3A_809 : i32 to index
      %get3A_813 = arith.constant 96 : index
      %get3A_814 = tpu.vector_load %arg10[%get3A_811, %get3A_812, %get3A_813] {strides = array<i32>} : memref<2x320x128xf32, #tpu.memory_space<vmem>>, vector<16xf32>,
      %mul3A_815 = arith.mulf %get3A_470, %get3A_814 : vector<16xf32>
      %add3A_816 = arith.constant 256 : i32
      %add3A_817 = arith.addi %add3A_816, %add3A_436 : i32
      %get3A_818 = arith.constant 0 : i32
      %get3A_819 = arith.index_cast %get3A_818 : i32 to index
      %get3A_820 = arith.index_cast %add3A_817 : i32 to index
      %get3A_821 = arith.constant 112 : index
      %get3A_822 = tpu.vector_load %arg10[%get3A_819, %get3A_820, %get3A_821] {strides = array<i32>} : memref<2x320x128xf32, #tpu.memory_space<vmem>>, vector<16xf32>,
      %mul3A_823 = arith.mulf %get3A_475, %get3A_822 : vector<16xf32>
      %add3A_824 = arith.addf %mul3A_767, %mul3A_775 : vector<16xf32>
      %add3A_825 = arith.addf %mul3A_783, %mul3A_791 : vector<16xf32>
      %add3A_826 = arith.addf %mul3A_799, %mul3A_807 : vector<16xf32>
      %add3A_827 = arith.addf %mul3A_815, %mul3A_823 : vector<16xf32>
      %add3A_828 = arith.addf %add3A_824, %add3A_825 : vector<16xf32>
      %add3A_829 = arith.addf %add3A_826, %add3A_827 : vector<16xf32>
      %add3A_830 = arith.addf %add3A_828, %add3A_829 : vector<16xf32>
      %broadcast_in_dim3A = arith.constant true
      %broadcast_in_dim3A_831 = vector.broadcast %broadcast_in_dim3A : i1 to vector<16xi1>
      %masked_cumsum3A = tpu.scan <sum>, %add3A_546 masked %broadcast_in_dim3A_831 : vector<16xf32>, vector<16xi1> -> vector<16xf32>
      %broadcast_in_dim3A_832 = arith.constant true
      %broadcast_in_dim3A_833 = vector.broadcast %broadcast_in_dim3A_832 : i1 to vector<16xi1>
      %masked_cumsum3A_834 = tpu.scan <sum>, %add3A_617 masked %broadcast_in_dim3A_833 : vector<16xf32>, vector<16xi1> -> vector<16xf32>
      %broadcast_in_dim3A_835 = arith.constant true
      %broadcast_in_dim3A_836 = vector.broadcast %broadcast_in_dim3A_835 : i1 to vector<16xi1>
      %masked_cumsum3A_837 = tpu.scan <sum>, %add3A_688 masked %broadcast_in_dim3A_836 : vector<16xf32>, vector<16xi1> -> vector<16xf32>
      %broadcast_in_dim3A_838 = arith.constant true
      %broadcast_in_dim3A_839 = vector.broadcast %broadcast_in_dim3A_838 : i1 to vector<16xi1>
      %masked_cumsum3A_840 = tpu.scan <sum>, %add3A_759 masked %broadcast_in_dim3A_839 : vector<16xf32>, vector<16xi1> -> vector<16xf32>
      %broadcast_in_dim3A_841 = arith.constant true
      %broadcast_in_dim3A_842 = vector.broadcast %broadcast_in_dim3A_841 : i1 to vector<16xi1>
      %masked_cumsum3A_843 = tpu.scan <sum>, %add3A_830 masked %broadcast_in_dim3A_842 : vector<16xf32>, vector<16xi1> -> vector<16xf32>
      %add3A_844 = arith.constant 0 : i32
      %add3A_845 = arith.addi %add3A_844, %add3A_436 : i32
      %mul3A_846 = arith.constant 5 : i32
      %mul3A_847 = arith.muli %add3A_845, %mul3A_846 : i32
      %broadcast_in_dim3A_848 = vector.broadcast %mul3A_847 : i32 to vector<16xi32>
      %add3A_849 = arith.constant 0 : i32
      %add3A_850 = vector.broadcast %add3A_849 : i32 to vector<16xi32>
      %add3A_851 = arith.addi %broadcast_in_dim3A_848, %add3A_850 : vector<16xi32>
      tpu.vector_store_idx %arg11[%add3A_851], %masked_cumsum3A masked %eq3A_26 : memref<640xf32, #tpu.memory_space<vmem>>[vector<16xi32>], vector<16xf32>, vector<16xi1>
      %add3A_852 = arith.constant 1 : i32
      %add3A_853 = vector.broadcast %add3A_852 : i32 to vector<16xi32>
      %add3A_854 = arith.addi %broadcast_in_dim3A_848, %add3A_853 : vector<16xi32>
      tpu.vector_store_idx %arg11[%add3A_854], %masked_cumsum3A_834 masked %eq3A_26 : memref<640xf32, #tpu.memory_space<vmem>>[vector<16xi32>], vector<16xf32>, vector<16xi1>
      %add3A_855 = arith.constant 2 : i32
      %add3A_856 = vector.broadcast %add3A_855 : i32 to vector<16xi32>
      %add3A_857 = arith.addi %broadcast_in_dim3A_848, %add3A_856 : vector<16xi32>
      tpu.vector_store_idx %arg11[%add3A_857], %masked_cumsum3A_837 masked %eq3A_26 : memref<640xf32, #tpu.memory_space<vmem>>[vector<16xi32>], vector<16xf32>, vector<16xi1>
      %add3A_858 = arith.constant 3 : i32
      %add3A_859 = vector.broadcast %add3A_858 : i32 to vector<16xi32>
      %add3A_860 = arith.addi %broadcast_in_dim3A_848, %add3A_859 : vector<16xi32>
      tpu.vector_store_idx %arg11[%add3A_860], %masked_cumsum3A_840 masked %eq3A_26 : memref<640xf32, #tpu.memory_space<vmem>>[vector<16xi32>], vector<16xf32>, vector<16xi1>
      %add3A_861 = arith.constant 4 : i32
      %add3A_862 = vector.broadcast %add3A_861 : i32 to vector<16xi32>
      %add3A_863 = arith.addi %broadcast_in_dim3A_848, %add3A_862 : vector<16xi32>
      tpu.vector_store_idx %arg11[%add3A_863], %masked_cumsum3A_843 masked %eq3A_26 : memref<640xf32, #tpu.memory_space<vmem>>[vector<16xi32>], vector<16xf32>, vector<16xi1>
    }
    %scan3A_294 = arith.constant 64 : i32
    %mul3A_295 = arith.constant 5 : i32
    %mul3A_296 = arith.muli %mul3A_2, %mul3A_295 : i32
    %add3A_297 = arith.constant 0 : i32
    %add3A_298 = arith.addi %mul3A_296, %add3A_297 : i32
    %dma_start3A_299 = arith.constant 2 : i32
    %dma_start3A_300 = arith.constant 0 : i32
    %dma_start3A_301 = tpu.memref_slice %arg11[%dma_start3A_300] : memref<640xf32, #tpu.memory_space<vmem>> -> memref<320xf32, #tpu.memory_space<vmem>>
    %dma_start3A_302 = tpu.memref_slice %arg6[%add3A_298] : memref<20480xf32, #tpu.memory_space<hbm>> -> memref<320xf32, #tpu.memory_space<hbm>>
    %dma_start3A_303 = tpu.memref_slice %arg12[%dma_start3A_299] : memref<3x!tpu.dma_semaphore, #tpu.memory_space<semaphore_mem>> -> memref<1x!tpu.dma_semaphore, #tpu.memory_space<semaphore_mem>>
    %dma_start3A_304 = tpu.memref_squeeze %dma_start3A_303 : memref<1x!tpu.dma_semaphore, #tpu.memory_space<semaphore_mem>> -> memref<!tpu.dma_semaphore, #tpu.memory_space<semaphore_mem>>
    %dma_start3A_305 = tpu.memref_slice %arg6[%add3A_298] : memref<20480xf32, #tpu.memory_space<hbm>> -> memref<320xf32, #tpu.memory_space<hbm>>
    %dma_start3A_306 = arith.constant 0 : i32
    %dma_start3A_307 = tpu.memref_slice %arg11[%dma_start3A_306] : memref<640xf32, #tpu.memory_space<vmem>> -> memref<320xf32, #tpu.memory_space<vmem>>
    tpu.enqueue_dma source(%dma_start3A_307 : memref<320xf32, #tpu.memory_space<vmem>>) target(%dma_start3A_305 : memref<320xf32, #tpu.memory_space<hbm>>) target_semaphore(%dma_start3A_304 : memref<!tpu.dma_semaphore, #tpu.memory_space<semaphore_mem>>)
    %dma_wait3A_308 = arith.constant 1 : i32
    %dma_wait3A_309 = arith.constant 1 : i32
    %dma_wait3A_310 = arith.constant 0 : i32
    %dma_wait3A_311 = arith.constant 0 : i32
    %dma_wait3A_312 = tpu.memref_slice %arg9[%dma_wait3A_308, %dma_wait3A_310, %dma_wait3A_311] : memref<2x64x128xf32, #tpu.memory_space<vmem>> -> memref<1x64x128xf32, #tpu.memory_space<vmem>>
    %dma_wait3A_313 = tpu.memref_squeeze %dma_wait3A_312 : memref<1x64x128xf32, #tpu.memory_space<vmem>> -> memref<64x128xf32, #tpu.memory_space<vmem>>
    %dma_wait3A_314 = arith.constant 64 : i32
    %dma_wait3A_315 = tpu.memref_slice %arg7[%dma_wait3A_314] : memref<128xi32, #tpu.memory_space<vmem>> -> memref<64xi32, #tpu.memory_space<vmem>>
    %dma_wait3A_316 = arith.constant 0 : i32
    %dma_wait3A_317 = arith.constant 0 : i32
    %dma_wait3A_318 = tpu.memref_slice %arg4[%dma_wait3A_316, %dma_wait3A_317] : memref<100000x128xf32, #tpu.memory_space<hbm>> -> memref<100000x128xf32, #tpu.memory_space<hbm>>
    %dma_wait3A_319 = tpu.memref_slice %arg12[%dma_wait3A_309] : memref<3x!tpu.dma_semaphore, #tpu.memory_space<semaphore_mem>> -> memref<1x!tpu.dma_semaphore, #tpu.memory_space<semaphore_mem>>
    %dma_wait3A_320 = tpu.memref_squeeze %dma_wait3A_319 : memref<1x!tpu.dma_semaphore, #tpu.memory_space<semaphore_mem>> -> memref<!tpu.dma_semaphore, #tpu.memory_space<semaphore_mem>>
    tpu.wait_indirect_dma semaphore(%dma_wait3A_320 : memref<!tpu.dma_semaphore, #tpu.memory_space<semaphore_mem>>) src(%dma_wait3A_318 : memref<100000x128xf32, #tpu.memory_space<hbm>>) dst(%dma_wait3A_313 : memref<64x128xf32, #tpu.memory_space<vmem>>)
    %dma_wait3A_321 = arith.constant 0 : i32
    %dma_wait3A_322 = arith.constant 1 : i32
    %dma_wait3A_323 = arith.constant 1 : i32
    %dma_wait3A_324 = arith.constant 0 : i32
    %dma_wait3A_325 = arith.constant 0 : i32
    %dma_wait3A_326 = tpu.memref_slice %arg10[%dma_wait3A_322, %dma_wait3A_324, %dma_wait3A_325] : memref<2x320x128xf32, #tpu.memory_space<vmem>> -> memref<1x64x128xf32, #tpu.memory_space<vmem>>
    %dma_wait3A_327 = tpu.memref_squeeze %dma_wait3A_326 : memref<1x64x128xf32, #tpu.memory_space<vmem>> -> memref<64x128xf32, #tpu.memory_space<vmem>>
    %dma_wait3A_328 = arith.constant 64 : i32
    %dma_wait3A_329 = tpu.memref_slice %arg8[%dma_wait3A_321, %dma_wait3A_328] : memref<5x128xi32, #tpu.memory_space<vmem>> -> memref<1x64xi32, #tpu.memory_space<vmem>>
    %dma_wait3A_330 = tpu.memref_squeeze %dma_wait3A_329 : memref<1x64xi32, #tpu.memory_space<vmem>> -> memref<64xi32, #tpu.memory_space<vmem>>
    %dma_wait3A_331 = arith.constant 0 : i32
    %dma_wait3A_332 = arith.constant 0 : i32
    %dma_wait3A_333 = tpu.memref_slice %arg5[%dma_wait3A_331, %dma_wait3A_332] : memref<100000x128xf32, #tpu.memory_space<hbm>> -> memref<100000x128xf32, #tpu.memory_space<hbm>>
    %dma_wait3A_334 = tpu.memref_slice %arg12[%dma_wait3A_323] : memref<3x!tpu.dma_semaphore, #tpu.memory_space<semaphore_mem>> -> memref<1x!tpu.dma_semaphore, #tpu.memory_space<semaphore_mem>>
    %dma_wait3A_335 = tpu.memref_squeeze %dma_wait3A_334 : memref<1x!tpu.dma_semaphore, #tpu.memory_space<semaphore_mem>> -> memref<!tpu.dma_semaphore, #tpu.memory_space<semaphore_mem>>
    tpu.wait_indirect_dma semaphore(%dma_wait3A_335 : memref<!tpu.dma_semaphore, #tpu.memory_space<semaphore_mem>>) src(%dma_wait3A_333 : memref<100000x128xf32, #tpu.memory_space<hbm>>) dst(%dma_wait3A_327 : memref<64x128xf32, #tpu.memory_space<vmem>>)
    %dma_wait3A_336 = arith.constant 1 : i32
    %dma_wait3A_337 = arith.constant 1 : i32
    %dma_wait3A_338 = arith.constant 1 : i32
    %dma_wait3A_339 = arith.constant 64 : i32
    %dma_wait3A_340 = arith.constant 0 : i32
    %dma_wait3A_341 = tpu.memref_slice %arg10[%dma_wait3A_337, %dma_wait3A_339, %dma_wait3A_340] : memref<2x320x128xf32, #tpu.memory_space<vmem>> -> memref<1x64x128xf32, #tpu.memory_space<vmem>>
    %dma_wait3A_342 = tpu.memref_squeeze %dma_wait3A_341 : memref<1x64x128xf32, #tpu.memory_space<vmem>> -> memref<64x128xf32, #tpu.memory_space<vmem>>
    %dma_wait3A_343 = arith.constant 64 : i32
    %dma_wait3A_344 = tpu.memref_slice %arg8[%dma_wait3A_336, %dma_wait3A_343] : memref<5x128xi32, #tpu.memory_space<vmem>> -> memref<1x64xi32, #tpu.memory_space<vmem>>
    %dma_wait3A_345 = tpu.memref_squeeze %dma_wait3A_344 : memref<1x64xi32, #tpu.memory_space<vmem>> -> memref<64xi32, #tpu.memory_space<vmem>>
    %dma_wait3A_346 = arith.constant 0 : i32
    %dma_wait3A_347 = arith.constant 0 : i32
    %dma_wait3A_348 = tpu.memref_slice %arg5[%dma_wait3A_346, %dma_wait3A_347] : memref<100000x128xf32, #tpu.memory_space<hbm>> -> memref<100000x128xf32, #tpu.memory_space<hbm>>
    %dma_wait3A_349 = tpu.memref_slice %arg12[%dma_wait3A_338] : memref<3x!tpu.dma_semaphore, #tpu.memory_space<semaphore_mem>> -> memref<1x!tpu.dma_semaphore, #tpu.memory_space<semaphore_mem>>
    %dma_wait3A_350 = tpu.memref_squeeze %dma_wait3A_349 : memref<1x!tpu.dma_semaphore, #tpu.memory_space<semaphore_mem>> -> memref<!tpu.dma_semaphore, #tpu.memory_space<semaphore_mem>>
    tpu.wait_indirect_dma semaphore(%dma_wait3A_350 : memref<!tpu.dma_semaphore, #tpu.memory_space<semaphore_mem>>) src(%dma_wait3A_348 : memref<100000x128xf32, #tpu.memory_space<hbm>>) dst(%dma_wait3A_342 : memref<64x128xf32, #tpu.memory_space<vmem>>)
    %dma_wait3A_351 = arith.constant 2 : i32
    %dma_wait3A_352 = arith.constant 1 : i32
    %dma_wait3A_353 = arith.constant 1 : i32
    %dma_wait3A_354 = arith.constant 128 : i32
    %dma_wait3A_355 = arith.constant 0 : i32
    %dma_wait3A_356 = tpu.memref_slice %arg10[%dma_wait3A_352, %dma_wait3A_354, %dma_wait3A_355] : memref<2x320x128xf32, #tpu.memory_space<vmem>> -> memref<1x64x128xf32, #tpu.memory_space<vmem>>
    %dma_wait3A_357 = tpu.memref_squeeze %dma_wait3A_356 : memref<1x64x128xf32, #tpu.memory_space<vmem>> -> memref<64x128xf32, #tpu.memory_space<vmem>>
    %dma_wait3A_358 = arith.constant 64 : i32
    %dma_wait3A_359 = tpu.memref_slice %arg8[%dma_wait3A_351, %dma_wait3A_358] : memref<5x128xi32, #tpu.memory_space<vmem>> -> memref<1x64xi32, #tpu.memory_space<vmem>>
    %dma_wait3A_360 = tpu.memref_squeeze %dma_wait3A_359 : memref<1x64xi32, #tpu.memory_space<vmem>> -> memref<64xi32, #tpu.memory_space<vmem>>
    %dma_wait3A_361 = arith.constant 0 : i32
    %dma_wait3A_362 = arith.constant 0 : i32
    %dma_wait3A_363 = tpu.memref_slice %arg5[%dma_wait3A_361, %dma_wait3A_362] : memref<100000x128xf32, #tpu.memory_space<hbm>> -> memref<100000x128xf32, #tpu.memory_space<hbm>>
    %dma_wait3A_364 = tpu.memref_slice %arg12[%dma_wait3A_353] : memref<3x!tpu.dma_semaphore, #tpu.memory_space<semaphore_mem>> -> memref<1x!tpu.dma_semaphore, #tpu.memory_space<semaphore_mem>>
    %dma_wait3A_365 = tpu.memref_squeeze %dma_wait3A_364 : memref<1x!tpu.dma_semaphore, #tpu.memory_space<semaphore_mem>> -> memref<!tpu.dma_semaphore, #tpu.memory_space<semaphore_mem>>
    tpu.wait_indirect_dma semaphore(%dma_wait3A_365 : memref<!tpu.dma_semaphore, #tpu.memory_space<semaphore_mem>>) src(%dma_wait3A_363 : memref<100000x128xf32, #tpu.memory_space<hbm>>) dst(%dma_wait3A_357 : memref<64x128xf32, #tpu.memory_space<vmem>>)
    %dma_wait3A_366 = arith.constant 3 : i32
    %dma_wait3A_367 = arith.constant 1 : i32
    %dma_wait3A_368 = arith.constant 1 : i32
    %dma_wait3A_369 = arith.constant 192 : i32
    %dma_wait3A_370 = arith.constant 0 : i32
    %dma_wait3A_371 = tpu.memref_slice %arg10[%dma_wait3A_367, %dma_wait3A_369, %dma_wait3A_370] : memref<2x320x128xf32, #tpu.memory_space<vmem>> -> memref<1x64x128xf32, #tpu.memory_space<vmem>>
    %dma_wait3A_372 = tpu.memref_squeeze %dma_wait3A_371 : memref<1x64x128xf32, #tpu.memory_space<vmem>> -> memref<64x128xf32, #tpu.memory_space<vmem>>
    %dma_wait3A_373 = arith.constant 64 : i32
    %dma_wait3A_374 = tpu.memref_slice %arg8[%dma_wait3A_366, %dma_wait3A_373] : memref<5x128xi32, #tpu.memory_space<vmem>> -> memref<1x64xi32, #tpu.memory_space<vmem>>
    %dma_wait3A_375 = tpu.memref_squeeze %dma_wait3A_374 : memref<1x64xi32, #tpu.memory_space<vmem>> -> memref<64xi32, #tpu.memory_space<vmem>>
    %dma_wait3A_376 = arith.constant 0 : i32
    %dma_wait3A_377 = arith.constant 0 : i32
    %dma_wait3A_378 = tpu.memref_slice %arg5[%dma_wait3A_376, %dma_wait3A_377] : memref<100000x128xf32, #tpu.memory_space<hbm>> -> memref<100000x128xf32, #tpu.memory_space<hbm>>
    %dma_wait3A_379 = tpu.memref_slice %arg12[%dma_wait3A_368] : memref<3x!tpu.dma_semaphore, #tpu.memory_space<semaphore_mem>> -> memref<1x!tpu.dma_semaphore, #tpu.memory_space<semaphore_mem>>
    %dma_wait3A_380 = tpu.memref_squeeze %dma_wait3A_379 : memref<1x!tpu.dma_semaphore, #tpu.memory_space<semaphore_mem>> -> memref<!tpu.dma_semaphore, #tpu.memory_space<semaphore_mem>>
    tpu.wait_indirect_dma semaphore(%dma_wait3A_380 : memref<!tpu.dma_semaphore, #tpu.memory_space<semaphore_mem>>) src(%dma_wait3A_378 : memref<100000x128xf32, #tpu.memory_space<hbm>>) dst(%dma_wait3A_372 : memref<64x128xf32, #tpu.memory_space<vmem>>)
    %dma_wait3A_381 = arith.constant 4 : i32
    %dma_wait3A_382 = arith.constant 1 : i32
    %dma_wait3A_383 = arith.constant 1 : i32
    %dma_wait3A_384 = arith.constant 256 : i32
    %dma_wait3A_385 = arith.constant 0 : i32
    %dma_wait3A_386 = tpu.memref_slice %arg10[%dma_wait3A_382, %dma_wait3A_384, %dma_wait3A_385] : memref<2x320x128xf32, #tpu.memory_space<vmem>> -> memref<1x64x128xf32, #tpu.memory_space<vmem>>
    %dma_wait3A_387 = tpu.memref_squeeze %dma_wait3A_386 : memref<1x64x128xf32, #tpu.memory_space<vmem>> -> memref<64x128xf32, #tpu.memory_space<vmem>>
    %dma_wait3A_388 = arith.constant 64 : i32
    %dma_wait3A_389 = tpu.memref_slice %arg8[%dma_wait3A_381, %dma_wait3A_388] : memref<5x128xi32, #tpu.memory_space<vmem>> -> memref<1x64xi32, #tpu.memory_space<vmem>>
    %dma_wait3A_390 = tpu.memref_squeeze %dma_wait3A_389 : memref<1x64xi32, #tpu.memory_space<vmem>> -> memref<64xi32, #tpu.memory_space<vmem>>
    %dma_wait3A_391 = arith.constant 0 : i32
    %dma_wait3A_392 = arith.constant 0 : i32
    %dma_wait3A_393 = tpu.memref_slice %arg5[%dma_wait3A_391, %dma_wait3A_392] : memref<100000x128xf32, #tpu.memory_space<hbm>> -> memref<100000x128xf32, #tpu.memory_space<hbm>>
    %dma_wait3A_394 = tpu.memref_slice %arg12[%dma_wait3A_383] : memref<3x!tpu.dma_semaphore, #tpu.memory_space<semaphore_mem>> -> memref<1x!tpu.dma_semaphore, #tpu.memory_space<semaphore_mem>>
    %dma_wait3A_395 = tpu.memref_squeeze %dma_wait3A_394 : memref<1x!tpu.dma_semaphore, #tpu.memory_space<semaphore_mem>> -> memref<!tpu.dma_semaphore, #tpu.memory_space<semaphore_mem>>
    tpu.wait_indirect_dma semaphore(%dma_wait3A_395 : memref<!tpu.dma_semaphore, #tpu.memory_space<semaphore_mem>>) src(%dma_wait3A_393 : memref<100000x128xf32, #tpu.memory_space<hbm>>) dst(%dma_wait3A_387 : memref<64x128xf32, #tpu.memory_space<vmem>>)
    %scan3A_396 = arith.constant 0 : i32
    %scan3A_397 = arith.constant 64 : i32
    %scan3A_398 = arith.addi %scan3A_396, %scan3A_397 : i32
    %scan3A_399 = arith.constant 1 : i32
    scf.for %scan3A_432 = %scan3A_396 to %scan3A_398 step %scan3A_399  : i32 {
      %mul3A_433 = arith.constant 1 : i32
      %mul3A_434 = arith.muli %scan3A_432, %mul3A_433 : i32
      %add3A_435 = arith.constant 0 : i32
      %add3A_436 = arith.addi %add3A_435, %mul3A_434 : i32
      %get3A = arith.constant 1 : i32
      %get3A_437 = arith.index_cast %get3A : i32 to index
      %get3A_438 = arith.index_cast %add3A_436 : i32 to index
      %get3A_439 = arith.constant 0 : index
      %get3A_440 = tpu.vector_load %arg9[%get3A_437, %get3A_438, %get3A_439] {strides = array<i32>} : memref<2x64x128xf32, #tpu.memory_space<vmem>>, vector<16xf32>,
      %get3A_441 = arith.constant 1 : i32
      %get3A_442 = arith.index_cast %get3A_441 : i32 to index
      %get3A_443 = arith.index_cast %add3A_436 : i32 to index
      %get3A_444 = arith.constant 16 : index
      %get3A_445 = tpu.vector_load %arg9[%get3A_442, %get3A_443, %get3A_444] {strides = array<i32>} : memref<2x64x128xf32, #tpu.memory_space<vmem>>, vector<16xf32>,
      %get3A_446 = arith.constant 1 : i32
      %get3A_447 = arith.index_cast %get3A_446 : i32 to index
      %get3A_448 = arith.index_cast %add3A_436 : i32 to index
      %get3A_449 = arith.constant 32 : index
      %get3A_450 = tpu.vector_load %arg9[%get3A_447, %get3A_448, %get3A_449] {strides = array<i32>} : memref<2x64x128xf32, #tpu.memory_space<vmem>>, vector<16xf32>,
      %get3A_451 = arith.constant 1 : i32
      %get3A_452 = arith.index_cast %get3A_451 : i32 to index
      %get3A_453 = arith.index_cast %add3A_436 : i32 to index
      %get3A_454 = arith.constant 48 : index
      %get3A_455 = tpu.vector_load %arg9[%get3A_452, %get3A_453, %get3A_454] {strides = array<i32>} : memref<2x64x128xf32, #tpu.memory_space<vmem>>, vector<16xf32>,
      %get3A_456 = arith.constant 1 : i32
      %get3A_457 = arith.index_cast %get3A_456 : i32 to index
      %get3A_458 = arith.index_cast %add3A_436 : i32 to index
      %get3A_459 = arith.constant 64 : index
      %get3A_460 = tpu.vector_load %arg9[%get3A_457, %get3A_458, %get3A_459] {strides = array<i32>} : memref<2x64x128xf32, #tpu.memory_space<vmem>>, vector<16xf32>,
      %get3A_461 = arith.constant 1 : i32
      %get3A_462 = arith.index_cast %get3A_461 : i32 to index
      %get3A_463 = arith.index_cast %add3A_436 : i32 to index
      %get3A_464 = arith.constant 80 : index
      %get3A_465 = tpu.vector_load %arg9[%get3A_462, %get3A_463, %get3A_464] {strides = array<i32>} : memref<2x64x128xf32, #tpu.memory_space<vmem>>, vector<16xf32>,
      %get3A_466 = arith.constant 1 : i32
      %get3A_467 = arith.index_cast %get3A_466 : i32 to index
      %get3A_468 = arith.index_cast %add3A_436 : i32 to index
      %get3A_469 = arith.constant 96 : index
      %get3A_470 = tpu.vector_load %arg9[%get3A_467, %get3A_468, %get3A_469] {strides = array<i32>} : memref<2x64x128xf32, #tpu.memory_space<vmem>>, vector<16xf32>,
      %get3A_471 = arith.constant 1 : i32
      %get3A_472 = arith.index_cast %get3A_471 : i32 to index
      %get3A_473 = arith.index_cast %add3A_436 : i32 to index
      %get3A_474 = arith.constant 112 : index
      %get3A_475 = tpu.vector_load %arg9[%get3A_472, %get3A_473, %get3A_474] {strides = array<i32>} : memref<2x64x128xf32, #tpu.memory_space<vmem>>, vector<16xf32>,
      %add3A_476 = arith.constant 0 : i32
      %add3A_477 = arith.addi %add3A_476, %add3A_436 : i32
      %get3A_478 = arith.constant 1 : i32
      %get3A_479 = arith.index_cast %get3A_478 : i32 to index
      %get3A_480 = arith.index_cast %add3A_477 : i32 to index
      %get3A_481 = arith.constant 0 : index
      %get3A_482 = tpu.vector_load %arg10[%get3A_479, %get3A_480, %get3A_481] {strides = array<i32>} : memref<2x320x128xf32, #tpu.memory_space<vmem>>, vector<16xf32>,
      %mul3A_483 = arith.mulf %get3A_440, %get3A_482 : vector<16xf32>
      %add3A_484 = arith.constant 0 : i32
      %add3A_485 = arith.addi %add3A_484, %add3A_436 : i32
      %get3A_486 = arith.constant 1 : i32
      %get3A_487 = arith.index_cast %get3A_486 : i32 to index
      %get3A_488 = arith.index_cast %add3A_485 : i32 to index
      %get3A_489 = arith.constant 16 : index
      %get3A_490 = tpu.vector_load %arg10[%get3A_487, %get3A_488, %get3A_489] {strides = array<i32>} : memref<2x320x128xf32, #tpu.memory_space<vmem>>, vector<16xf32>,
      %mul3A_491 = arith.mulf %get3A_445, %get3A_490 : vector<16xf32>
      %add3A_492 = arith.constant 0 : i32
      %add3A_493 = arith.addi %add3A_492, %add3A_436 : i32
      %get3A_494 = arith.constant 1 : i32
      %get3A_495 = arith.index_cast %get3A_494 : i32 to index
      %get3A_496 = arith.index_cast %add3A_493 : i32 to index
      %get3A_497 = arith.constant 32 : index
      %get3A_498 = tpu.vector_load %arg10[%get3A_495, %get3A_496, %get3A_497] {strides = array<i32>} : memref<2x320x128xf32, #tpu.memory_space<vmem>>, vector<16xf32>,
      %mul3A_499 = arith.mulf %get3A_450, %get3A_498 : vector<16xf32>
      %add3A_500 = arith.constant 0 : i32
      %add3A_501 = arith.addi %add3A_500, %add3A_436 : i32
      %get3A_502 = arith.constant 1 : i32
      %get3A_503 = arith.index_cast %get3A_502 : i32 to index
      %get3A_504 = arith.index_cast %add3A_501 : i32 to index
      %get3A_505 = arith.constant 48 : index
      %get3A_506 = tpu.vector_load %arg10[%get3A_503, %get3A_504, %get3A_505] {strides = array<i32>} : memref<2x320x128xf32, #tpu.memory_space<vmem>>, vector<16xf32>,
      %mul3A_507 = arith.mulf %get3A_455, %get3A_506 : vector<16xf32>
      %add3A_508 = arith.constant 0 : i32
      %add3A_509 = arith.addi %add3A_508, %add3A_436 : i32
      %get3A_510 = arith.constant 1 : i32
      %get3A_511 = arith.index_cast %get3A_510 : i32 to index
      %get3A_512 = arith.index_cast %add3A_509 : i32 to index
      %get3A_513 = arith.constant 64 : index
      %get3A_514 = tpu.vector_load %arg10[%get3A_511, %get3A_512, %get3A_513] {strides = array<i32>} : memref<2x320x128xf32, #tpu.memory_space<vmem>>, vector<16xf32>,
      %mul3A_515 = arith.mulf %get3A_460, %get3A_514 : vector<16xf32>
      %add3A_516 = arith.constant 0 : i32
      %add3A_517 = arith.addi %add3A_516, %add3A_436 : i32
      %get3A_518 = arith.constant 1 : i32
      %get3A_519 = arith.index_cast %get3A_518 : i32 to index
      %get3A_520 = arith.index_cast %add3A_517 : i32 to index
      %get3A_521 = arith.constant 80 : index
      %get3A_522 = tpu.vector_load %arg10[%get3A_519, %get3A_520, %get3A_521] {strides = array<i32>} : memref<2x320x128xf32, #tpu.memory_space<vmem>>, vector<16xf32>,
      %mul3A_523 = arith.mulf %get3A_465, %get3A_522 : vector<16xf32>
      %add3A_524 = arith.constant 0 : i32
      %add3A_525 = arith.addi %add3A_524, %add3A_436 : i32
      %get3A_526 = arith.constant 1 : i32
      %get3A_527 = arith.index_cast %get3A_526 : i32 to index
      %get3A_528 = arith.index_cast %add3A_525 : i32 to index
      %get3A_529 = arith.constant 96 : index
      %get3A_530 = tpu.vector_load %arg10[%get3A_527, %get3A_528, %get3A_529] {strides = array<i32>} : memref<2x320x128xf32, #tpu.memory_space<vmem>>, vector<16xf32>,
      %mul3A_531 = arith.mulf %get3A_470, %get3A_530 : vector<16xf32>
      %add3A_532 = arith.constant 0 : i32
      %add3A_533 = arith.addi %add3A_532, %add3A_436 : i32
      %get3A_534 = arith.constant 1 : i32
      %get3A_535 = arith.index_cast %get3A_534 : i32 to index
      %get3A_536 = arith.index_cast %add3A_533 : i32 to index
      %get3A_537 = arith.constant 112 : index
      %get3A_538 = tpu.vector_load %arg10[%get3A_535, %get3A_536, %get3A_537] {strides = array<i32>} : memref<2x320x128xf32, #tpu.memory_space<vmem>>, vector<16xf32>,
      %mul3A_539 = arith.mulf %get3A_475, %get3A_538 : vector<16xf32>
      %add3A_540 = arith.addf %mul3A_483, %mul3A_491 : vector<16xf32>
      %add3A_541 = arith.addf %mul3A_499, %mul3A_507 : vector<16xf32>
      %add3A_542 = arith.addf %mul3A_515, %mul3A_523 : vector<16xf32>
      %add3A_543 = arith.addf %mul3A_531, %mul3A_539 : vector<16xf32>
      %add3A_544 = arith.addf %add3A_540, %add3A_541 : vector<16xf32>
      %add3A_545 = arith.addf %add3A_542, %add3A_543 : vector<16xf32>
      %add3A_546 = arith.addf %add3A_544, %add3A_545 : vector<16xf32>
      %add3A_547 = arith.constant 64 : i32
      %add3A_548 = arith.addi %add3A_547, %add3A_436 : i32
      %get3A_549 = arith.constant 1 : i32
      %get3A_550 = arith.index_cast %get3A_549 : i32 to index
      %get3A_551 = arith.index_cast %add3A_548 : i32 to index
      %get3A_552 = arith.constant 0 : index
      %get3A_553 = tpu.vector_load %arg10[%get3A_550, %get3A_551, %get3A_552] {strides = array<i32>} : memref<2x320x128xf32, #tpu.memory_space<vmem>>, vector<16xf32>,
      %mul3A_554 = arith.mulf %get3A_440, %get3A_553 : vector<16xf32>
      %add3A_555 = arith.constant 64 : i32
      %add3A_556 = arith.addi %add3A_555, %add3A_436 : i32
      %get3A_557 = arith.constant 1 : i32
      %get3A_558 = arith.index_cast %get3A_557 : i32 to index
      %get3A_559 = arith.index_cast %add3A_556 : i32 to index
      %get3A_560 = arith.constant 16 : index
      %get3A_561 = tpu.vector_load %arg10[%get3A_558, %get3A_559, %get3A_560] {strides = array<i32>} : memref<2x320x128xf32, #tpu.memory_space<vmem>>, vector<16xf32>,
      %mul3A_562 = arith.mulf %get3A_445, %get3A_561 : vector<16xf32>
      %add3A_563 = arith.constant 64 : i32
      %add3A_564 = arith.addi %add3A_563, %add3A_436 : i32
      %get3A_565 = arith.constant 1 : i32
      %get3A_566 = arith.index_cast %get3A_565 : i32 to index
      %get3A_567 = arith.index_cast %add3A_564 : i32 to index
      %get3A_568 = arith.constant 32 : index
      %get3A_569 = tpu.vector_load %arg10[%get3A_566, %get3A_567, %get3A_568] {strides = array<i32>} : memref<2x320x128xf32, #tpu.memory_space<vmem>>, vector<16xf32>,
      %mul3A_570 = arith.mulf %get3A_450, %get3A_569 : vector<16xf32>
      %add3A_571 = arith.constant 64 : i32
      %add3A_572 = arith.addi %add3A_571, %add3A_436 : i32
      %get3A_573 = arith.constant 1 : i32
      %get3A_574 = arith.index_cast %get3A_573 : i32 to index
      %get3A_575 = arith.index_cast %add3A_572 : i32 to index
      %get3A_576 = arith.constant 48 : index
      %get3A_577 = tpu.vector_load %arg10[%get3A_574, %get3A_575, %get3A_576] {strides = array<i32>} : memref<2x320x128xf32, #tpu.memory_space<vmem>>, vector<16xf32>,
      %mul3A_578 = arith.mulf %get3A_455, %get3A_577 : vector<16xf32>
      %add3A_579 = arith.constant 64 : i32
      %add3A_580 = arith.addi %add3A_579, %add3A_436 : i32
      %get3A_581 = arith.constant 1 : i32
      %get3A_582 = arith.index_cast %get3A_581 : i32 to index
      %get3A_583 = arith.index_cast %add3A_580 : i32 to index
      %get3A_584 = arith.constant 64 : index
      %get3A_585 = tpu.vector_load %arg10[%get3A_582, %get3A_583, %get3A_584] {strides = array<i32>} : memref<2x320x128xf32, #tpu.memory_space<vmem>>, vector<16xf32>,
      %mul3A_586 = arith.mulf %get3A_460, %get3A_585 : vector<16xf32>
      %add3A_587 = arith.constant 64 : i32
      %add3A_588 = arith.addi %add3A_587, %add3A_436 : i32
      %get3A_589 = arith.constant 1 : i32
      %get3A_590 = arith.index_cast %get3A_589 : i32 to index
      %get3A_591 = arith.index_cast %add3A_588 : i32 to index
      %get3A_592 = arith.constant 80 : index
      %get3A_593 = tpu.vector_load %arg10[%get3A_590, %get3A_591, %get3A_592] {strides = array<i32>} : memref<2x320x128xf32, #tpu.memory_space<vmem>>, vector<16xf32>,
      %mul3A_594 = arith.mulf %get3A_465, %get3A_593 : vector<16xf32>
      %add3A_595 = arith.constant 64 : i32
      %add3A_596 = arith.addi %add3A_595, %add3A_436 : i32
      %get3A_597 = arith.constant 1 : i32
      %get3A_598 = arith.index_cast %get3A_597 : i32 to index
      %get3A_599 = arith.index_cast %add3A_596 : i32 to index
      %get3A_600 = arith.constant 96 : index
      %get3A_601 = tpu.vector_load %arg10[%get3A_598, %get3A_599, %get3A_600] {strides = array<i32>} : memref<2x320x128xf32, #tpu.memory_space<vmem>>, vector<16xf32>,
      %mul3A_602 = arith.mulf %get3A_470, %get3A_601 : vector<16xf32>
      %add3A_603 = arith.constant 64 : i32
      %add3A_604 = arith.addi %add3A_603, %add3A_436 : i32
      %get3A_605 = arith.constant 1 : i32
      %get3A_606 = arith.index_cast %get3A_605 : i32 to index
      %get3A_607 = arith.index_cast %add3A_604 : i32 to index
      %get3A_608 = arith.constant 112 : index
      %get3A_609 = tpu.vector_load %arg10[%get3A_606, %get3A_607, %get3A_608] {strides = array<i32>} : memref<2x320x128xf32, #tpu.memory_space<vmem>>, vector<16xf32>,
      %mul3A_610 = arith.mulf %get3A_475, %get3A_609 : vector<16xf32>
      %add3A_611 = arith.addf %mul3A_554, %mul3A_562 : vector<16xf32>
      %add3A_612 = arith.addf %mul3A_570, %mul3A_578 : vector<16xf32>
      %add3A_613 = arith.addf %mul3A_586, %mul3A_594 : vector<16xf32>
      %add3A_614 = arith.addf %mul3A_602, %mul3A_610 : vector<16xf32>
      %add3A_615 = arith.addf %add3A_611, %add3A_612 : vector<16xf32>
      %add3A_616 = arith.addf %add3A_613, %add3A_614 : vector<16xf32>
      %add3A_617 = arith.addf %add3A_615, %add3A_616 : vector<16xf32>
      %add3A_618 = arith.constant 128 : i32
      %add3A_619 = arith.addi %add3A_618, %add3A_436 : i32
      %get3A_620 = arith.constant 1 : i32
      %get3A_621 = arith.index_cast %get3A_620 : i32 to index
      %get3A_622 = arith.index_cast %add3A_619 : i32 to index
      %get3A_623 = arith.constant 0 : index
      %get3A_624 = tpu.vector_load %arg10[%get3A_621, %get3A_622, %get3A_623] {strides = array<i32>} : memref<2x320x128xf32, #tpu.memory_space<vmem>>, vector<16xf32>,
      %mul3A_625 = arith.mulf %get3A_440, %get3A_624 : vector<16xf32>
      %add3A_626 = arith.constant 128 : i32
      %add3A_627 = arith.addi %add3A_626, %add3A_436 : i32
      %get3A_628 = arith.constant 1 : i32
      %get3A_629 = arith.index_cast %get3A_628 : i32 to index
      %get3A_630 = arith.index_cast %add3A_627 : i32 to index
      %get3A_631 = arith.constant 16 : index
      %get3A_632 = tpu.vector_load %arg10[%get3A_629, %get3A_630, %get3A_631] {strides = array<i32>} : memref<2x320x128xf32, #tpu.memory_space<vmem>>, vector<16xf32>,
      %mul3A_633 = arith.mulf %get3A_445, %get3A_632 : vector<16xf32>
      %add3A_634 = arith.constant 128 : i32
      %add3A_635 = arith.addi %add3A_634, %add3A_436 : i32
      %get3A_636 = arith.constant 1 : i32
      %get3A_637 = arith.index_cast %get3A_636 : i32 to index
      %get3A_638 = arith.index_cast %add3A_635 : i32 to index
      %get3A_639 = arith.constant 32 : index
      %get3A_640 = tpu.vector_load %arg10[%get3A_637, %get3A_638, %get3A_639] {strides = array<i32>} : memref<2x320x128xf32, #tpu.memory_space<vmem>>, vector<16xf32>,
      %mul3A_641 = arith.mulf %get3A_450, %get3A_640 : vector<16xf32>
      %add3A_642 = arith.constant 128 : i32
      %add3A_643 = arith.addi %add3A_642, %add3A_436 : i32
      %get3A_644 = arith.constant 1 : i32
      %get3A_645 = arith.index_cast %get3A_644 : i32 to index
      %get3A_646 = arith.index_cast %add3A_643 : i32 to index
      %get3A_647 = arith.constant 48 : index
      %get3A_648 = tpu.vector_load %arg10[%get3A_645, %get3A_646, %get3A_647] {strides = array<i32>} : memref<2x320x128xf32, #tpu.memory_space<vmem>>, vector<16xf32>,
      %mul3A_649 = arith.mulf %get3A_455, %get3A_648 : vector<16xf32>
      %add3A_650 = arith.constant 128 : i32
      %add3A_651 = arith.addi %add3A_650, %add3A_436 : i32
      %get3A_652 = arith.constant 1 : i32
      %get3A_653 = arith.index_cast %get3A_652 : i32 to index
      %get3A_654 = arith.index_cast %add3A_651 : i32 to index
      %get3A_655 = arith.constant 64 : index
      %get3A_656 = tpu.vector_load %arg10[%get3A_653, %get3A_654, %get3A_655] {strides = array<i32>} : memref<2x320x128xf32, #tpu.memory_space<vmem>>, vector<16xf32>,
      %mul3A_657 = arith.mulf %get3A_460, %get3A_656 : vector<16xf32>
      %add3A_658 = arith.constant 128 : i32
      %add3A_659 = arith.addi %add3A_658, %add3A_436 : i32
      %get3A_660 = arith.constant 1 : i32
      %get3A_661 = arith.index_cast %get3A_660 : i32 to index
      %get3A_662 = arith.index_cast %add3A_659 : i32 to index
      %get3A_663 = arith.constant 80 : index
      %get3A_664 = tpu.vector_load %arg10[%get3A_661, %get3A_662, %get3A_663] {strides = array<i32>} : memref<2x320x128xf32, #tpu.memory_space<vmem>>, vector<16xf32>,
      %mul3A_665 = arith.mulf %get3A_465, %get3A_664 : vector<16xf32>
      %add3A_666 = arith.constant 128 : i32
      %add3A_667 = arith.addi %add3A_666, %add3A_436 : i32
      %get3A_668 = arith.constant 1 : i32
      %get3A_669 = arith.index_cast %get3A_668 : i32 to index
      %get3A_670 = arith.index_cast %add3A_667 : i32 to index
      %get3A_671 = arith.constant 96 : index
      %get3A_672 = tpu.vector_load %arg10[%get3A_669, %get3A_670, %get3A_671] {strides = array<i32>} : memref<2x320x128xf32, #tpu.memory_space<vmem>>, vector<16xf32>,
      %mul3A_673 = arith.mulf %get3A_470, %get3A_672 : vector<16xf32>
      %add3A_674 = arith.constant 128 : i32
      %add3A_675 = arith.addi %add3A_674, %add3A_436 : i32
      %get3A_676 = arith.constant 1 : i32
      %get3A_677 = arith.index_cast %get3A_676 : i32 to index
      %get3A_678 = arith.index_cast %add3A_675 : i32 to index
      %get3A_679 = arith.constant 112 : index
      %get3A_680 = tpu.vector_load %arg10[%get3A_677, %get3A_678, %get3A_679] {strides = array<i32>} : memref<2x320x128xf32, #tpu.memory_space<vmem>>, vector<16xf32>,
      %mul3A_681 = arith.mulf %get3A_475, %get3A_680 : vector<16xf32>
      %add3A_682 = arith.addf %mul3A_625, %mul3A_633 : vector<16xf32>
      %add3A_683 = arith.addf %mul3A_641, %mul3A_649 : vector<16xf32>
      %add3A_684 = arith.addf %mul3A_657, %mul3A_665 : vector<16xf32>
      %add3A_685 = arith.addf %mul3A_673, %mul3A_681 : vector<16xf32>
      %add3A_686 = arith.addf %add3A_682, %add3A_683 : vector<16xf32>
      %add3A_687 = arith.addf %add3A_684, %add3A_685 : vector<16xf32>
      %add3A_688 = arith.addf %add3A_686, %add3A_687 : vector<16xf32>
      %add3A_689 = arith.constant 192 : i32
      %add3A_690 = arith.addi %add3A_689, %add3A_436 : i32
      %get3A_691 = arith.constant 1 : i32
      %get3A_692 = arith.index_cast %get3A_691 : i32 to index
      %get3A_693 = arith.index_cast %add3A_690 : i32 to index
      %get3A_694 = arith.constant 0 : index
      %get3A_695 = tpu.vector_load %arg10[%get3A_692, %get3A_693, %get3A_694] {strides = array<i32>} : memref<2x320x128xf32, #tpu.memory_space<vmem>>, vector<16xf32>,
      %mul3A_696 = arith.mulf %get3A_440, %get3A_695 : vector<16xf32>
      %add3A_697 = arith.constant 192 : i32
      %add3A_698 = arith.addi %add3A_697, %add3A_436 : i32
      %get3A_699 = arith.constant 1 : i32
      %get3A_700 = arith.index_cast %get3A_699 : i32 to index
      %get3A_701 = arith.index_cast %add3A_698 : i32 to index
      %get3A_702 = arith.constant 16 : index
      %get3A_703 = tpu.vector_load %arg10[%get3A_700, %get3A_701, %get3A_702] {strides = array<i32>} : memref<2x320x128xf32, #tpu.memory_space<vmem>>, vector<16xf32>,
      %mul3A_704 = arith.mulf %get3A_445, %get3A_703 : vector<16xf32>
      %add3A_705 = arith.constant 192 : i32
      %add3A_706 = arith.addi %add3A_705, %add3A_436 : i32
      %get3A_707 = arith.constant 1 : i32
      %get3A_708 = arith.index_cast %get3A_707 : i32 to index
      %get3A_709 = arith.index_cast %add3A_706 : i32 to index
      %get3A_710 = arith.constant 32 : index
      %get3A_711 = tpu.vector_load %arg10[%get3A_708, %get3A_709, %get3A_710] {strides = array<i32>} : memref<2x320x128xf32, #tpu.memory_space<vmem>>, vector<16xf32>,
      %mul3A_712 = arith.mulf %get3A_450, %get3A_711 : vector<16xf32>
      %add3A_713 = arith.constant 192 : i32
      %add3A_714 = arith.addi %add3A_713, %add3A_436 : i32
      %get3A_715 = arith.constant 1 : i32
      %get3A_716 = arith.index_cast %get3A_715 : i32 to index
      %get3A_717 = arith.index_cast %add3A_714 : i32 to index
      %get3A_718 = arith.constant 48 : index
      %get3A_719 = tpu.vector_load %arg10[%get3A_716, %get3A_717, %get3A_718] {strides = array<i32>} : memref<2x320x128xf32, #tpu.memory_space<vmem>>, vector<16xf32>,
      %mul3A_720 = arith.mulf %get3A_455, %get3A_719 : vector<16xf32>
      %add3A_721 = arith.constant 192 : i32
      %add3A_722 = arith.addi %add3A_721, %add3A_436 : i32
      %get3A_723 = arith.constant 1 : i32
      %get3A_724 = arith.index_cast %get3A_723 : i32 to index
      %get3A_725 = arith.index_cast %add3A_722 : i32 to index
      %get3A_726 = arith.constant 64 : index
      %get3A_727 = tpu.vector_load %arg10[%get3A_724, %get3A_725, %get3A_726] {strides = array<i32>} : memref<2x320x128xf32, #tpu.memory_space<vmem>>, vector<16xf32>,
      %mul3A_728 = arith.mulf %get3A_460, %get3A_727 : vector<16xf32>
      %add3A_729 = arith.constant 192 : i32
      %add3A_730 = arith.addi %add3A_729, %add3A_436 : i32
      %get3A_731 = arith.constant 1 : i32
      %get3A_732 = arith.index_cast %get3A_731 : i32 to index
      %get3A_733 = arith.index_cast %add3A_730 : i32 to index
      %get3A_734 = arith.constant 80 : index
      %get3A_735 = tpu.vector_load %arg10[%get3A_732, %get3A_733, %get3A_734] {strides = array<i32>} : memref<2x320x128xf32, #tpu.memory_space<vmem>>, vector<16xf32>,
      %mul3A_736 = arith.mulf %get3A_465, %get3A_735 : vector<16xf32>
      %add3A_737 = arith.constant 192 : i32
      %add3A_738 = arith.addi %add3A_737, %add3A_436 : i32
      %get3A_739 = arith.constant 1 : i32
      %get3A_740 = arith.index_cast %get3A_739 : i32 to index
      %get3A_741 = arith.index_cast %add3A_738 : i32 to index
      %get3A_742 = arith.constant 96 : index
      %get3A_743 = tpu.vector_load %arg10[%get3A_740, %get3A_741, %get3A_742] {strides = array<i32>} : memref<2x320x128xf32, #tpu.memory_space<vmem>>, vector<16xf32>,
      %mul3A_744 = arith.mulf %get3A_470, %get3A_743 : vector<16xf32>
      %add3A_745 = arith.constant 192 : i32
      %add3A_746 = arith.addi %add3A_745, %add3A_436 : i32
      %get3A_747 = arith.constant 1 : i32
      %get3A_748 = arith.index_cast %get3A_747 : i32 to index
      %get3A_749 = arith.index_cast %add3A_746 : i32 to index
      %get3A_750 = arith.constant 112 : index
      %get3A_751 = tpu.vector_load %arg10[%get3A_748, %get3A_749, %get3A_750] {strides = array<i32>} : memref<2x320x128xf32, #tpu.memory_space<vmem>>, vector<16xf32>,
      %mul3A_752 = arith.mulf %get3A_475, %get3A_751 : vector<16xf32>
      %add3A_753 = arith.addf %mul3A_696, %mul3A_704 : vector<16xf32>
      %add3A_754 = arith.addf %mul3A_712, %mul3A_720 : vector<16xf32>
      %add3A_755 = arith.addf %mul3A_728, %mul3A_736 : vector<16xf32>
      %add3A_756 = arith.addf %mul3A_744, %mul3A_752 : vector<16xf32>
      %add3A_757 = arith.addf %add3A_753, %add3A_754 : vector<16xf32>
      %add3A_758 = arith.addf %add3A_755, %add3A_756 : vector<16xf32>
      %add3A_759 = arith.addf %add3A_757, %add3A_758 : vector<16xf32>
      %add3A_760 = arith.constant 256 : i32
      %add3A_761 = arith.addi %add3A_760, %add3A_436 : i32
      %get3A_762 = arith.constant 1 : i32
      %get3A_763 = arith.index_cast %get3A_762 : i32 to index
      %get3A_764 = arith.index_cast %add3A_761 : i32 to index
      %get3A_765 = arith.constant 0 : index
      %get3A_766 = tpu.vector_load %arg10[%get3A_763, %get3A_764, %get3A_765] {strides = array<i32>} : memref<2x320x128xf32, #tpu.memory_space<vmem>>, vector<16xf32>,
      %mul3A_767 = arith.mulf %get3A_440, %get3A_766 : vector<16xf32>
      %add3A_768 = arith.constant 256 : i32
      %add3A_769 = arith.addi %add3A_768, %add3A_436 : i32
      %get3A_770 = arith.constant 1 : i32
      %get3A_771 = arith.index_cast %get3A_770 : i32 to index
      %get3A_772 = arith.index_cast %add3A_769 : i32 to index
      %get3A_773 = arith.constant 16 : index
      %get3A_774 = tpu.vector_load %arg10[%get3A_771, %get3A_772, %get3A_773] {strides = array<i32>} : memref<2x320x128xf32, #tpu.memory_space<vmem>>, vector<16xf32>,
      %mul3A_775 = arith.mulf %get3A_445, %get3A_774 : vector<16xf32>
      %add3A_776 = arith.constant 256 : i32
      %add3A_777 = arith.addi %add3A_776, %add3A_436 : i32
      %get3A_778 = arith.constant 1 : i32
      %get3A_779 = arith.index_cast %get3A_778 : i32 to index
      %get3A_780 = arith.index_cast %add3A_777 : i32 to index
      %get3A_781 = arith.constant 32 : index
      %get3A_782 = tpu.vector_load %arg10[%get3A_779, %get3A_780, %get3A_781] {strides = array<i32>} : memref<2x320x128xf32, #tpu.memory_space<vmem>>, vector<16xf32>,
      %mul3A_783 = arith.mulf %get3A_450, %get3A_782 : vector<16xf32>
      %add3A_784 = arith.constant 256 : i32
      %add3A_785 = arith.addi %add3A_784, %add3A_436 : i32
      %get3A_786 = arith.constant 1 : i32
      %get3A_787 = arith.index_cast %get3A_786 : i32 to index
      %get3A_788 = arith.index_cast %add3A_785 : i32 to index
      %get3A_789 = arith.constant 48 : index
      %get3A_790 = tpu.vector_load %arg10[%get3A_787, %get3A_788, %get3A_789] {strides = array<i32>} : memref<2x320x128xf32, #tpu.memory_space<vmem>>, vector<16xf32>,
      %mul3A_791 = arith.mulf %get3A_455, %get3A_790 : vector<16xf32>
      %add3A_792 = arith.constant 256 : i32
      %add3A_793 = arith.addi %add3A_792, %add3A_436 : i32
      %get3A_794 = arith.constant 1 : i32
      %get3A_795 = arith.index_cast %get3A_794 : i32 to index
      %get3A_796 = arith.index_cast %add3A_793 : i32 to index
      %get3A_797 = arith.constant 64 : index
      %get3A_798 = tpu.vector_load %arg10[%get3A_795, %get3A_796, %get3A_797] {strides = array<i32>} : memref<2x320x128xf32, #tpu.memory_space<vmem>>, vector<16xf32>,
      %mul3A_799 = arith.mulf %get3A_460, %get3A_798 : vector<16xf32>
      %add3A_800 = arith.constant 256 : i32
      %add3A_801 = arith.addi %add3A_800, %add3A_436 : i32
      %get3A_802 = arith.constant 1 : i32
      %get3A_803 = arith.index_cast %get3A_802 : i32 to index
      %get3A_804 = arith.index_cast %add3A_801 : i32 to index
      %get3A_805 = arith.constant 80 : index
      %get3A_806 = tpu.vector_load %arg10[%get3A_803, %get3A_804, %get3A_805] {strides = array<i32>} : memref<2x320x128xf32, #tpu.memory_space<vmem>>, vector<16xf32>,
      %mul3A_807 = arith.mulf %get3A_465, %get3A_806 : vector<16xf32>
      %add3A_808 = arith.constant 256 : i32
      %add3A_809 = arith.addi %add3A_808, %add3A_436 : i32
      %get3A_810 = arith.constant 1 : i32
      %get3A_811 = arith.index_cast %get3A_810 : i32 to index
      %get3A_812 = arith.index_cast %add3A_809 : i32 to index
      %get3A_813 = arith.constant 96 : index
      %get3A_814 = tpu.vector_load %arg10[%get3A_811, %get3A_812, %get3A_813] {strides = array<i32>} : memref<2x320x128xf32, #tpu.memory_space<vmem>>, vector<16xf32>,
      %mul3A_815 = arith.mulf %get3A_470, %get3A_814 : vector<16xf32>
      %add3A_816 = arith.constant 256 : i32
      %add3A_817 = arith.addi %add3A_816, %add3A_436 : i32
      %get3A_818 = arith.constant 1 : i32
      %get3A_819 = arith.index_cast %get3A_818 : i32 to index
      %get3A_820 = arith.index_cast %add3A_817 : i32 to index
      %get3A_821 = arith.constant 112 : index
      %get3A_822 = tpu.vector_load %arg10[%get3A_819, %get3A_820, %get3A_821] {strides = array<i32>} : memref<2x320x128xf32, #tpu.memory_space<vmem>>, vector<16xf32>,
      %mul3A_823 = arith.mulf %get3A_475, %get3A_822 : vector<16xf32>
      %add3A_824 = arith.addf %mul3A_767, %mul3A_775 : vector<16xf32>
      %add3A_825 = arith.addf %mul3A_783, %mul3A_791 : vector<16xf32>
      %add3A_826 = arith.addf %mul3A_799, %mul3A_807 : vector<16xf32>
      %add3A_827 = arith.addf %mul3A_815, %mul3A_823 : vector<16xf32>
      %add3A_828 = arith.addf %add3A_824, %add3A_825 : vector<16xf32>
      %add3A_829 = arith.addf %add3A_826, %add3A_827 : vector<16xf32>
      %add3A_830 = arith.addf %add3A_828, %add3A_829 : vector<16xf32>
      %broadcast_in_dim3A = arith.constant true
      %broadcast_in_dim3A_831 = vector.broadcast %broadcast_in_dim3A : i1 to vector<16xi1>
      %masked_cumsum3A = tpu.scan <sum>, %add3A_546 masked %broadcast_in_dim3A_831 : vector<16xf32>, vector<16xi1> -> vector<16xf32>
      %broadcast_in_dim3A_832 = arith.constant true
      %broadcast_in_dim3A_833 = vector.broadcast %broadcast_in_dim3A_832 : i1 to vector<16xi1>
      %masked_cumsum3A_834 = tpu.scan <sum>, %add3A_617 masked %broadcast_in_dim3A_833 : vector<16xf32>, vector<16xi1> -> vector<16xf32>
      %broadcast_in_dim3A_835 = arith.constant true
      %broadcast_in_dim3A_836 = vector.broadcast %broadcast_in_dim3A_835 : i1 to vector<16xi1>
      %masked_cumsum3A_837 = tpu.scan <sum>, %add3A_688 masked %broadcast_in_dim3A_836 : vector<16xf32>, vector<16xi1> -> vector<16xf32>
      %broadcast_in_dim3A_838 = arith.constant true
      %broadcast_in_dim3A_839 = vector.broadcast %broadcast_in_dim3A_838 : i1 to vector<16xi1>
      %masked_cumsum3A_840 = tpu.scan <sum>, %add3A_759 masked %broadcast_in_dim3A_839 : vector<16xf32>, vector<16xi1> -> vector<16xf32>
      %broadcast_in_dim3A_841 = arith.constant true
      %broadcast_in_dim3A_842 = vector.broadcast %broadcast_in_dim3A_841 : i1 to vector<16xi1>
      %masked_cumsum3A_843 = tpu.scan <sum>, %add3A_830 masked %broadcast_in_dim3A_842 : vector<16xf32>, vector<16xi1> -> vector<16xf32>
      %add3A_844 = arith.constant 64 : i32
      %add3A_845 = arith.addi %add3A_844, %add3A_436 : i32
      %mul3A_846 = arith.constant 5 : i32
      %mul3A_847 = arith.muli %add3A_845, %mul3A_846 : i32
      %broadcast_in_dim3A_848 = vector.broadcast %mul3A_847 : i32 to vector<16xi32>
      %add3A_849 = arith.constant 0 : i32
      %add3A_850 = vector.broadcast %add3A_849 : i32 to vector<16xi32>
      %add3A_851 = arith.addi %broadcast_in_dim3A_848, %add3A_850 : vector<16xi32>
      tpu.vector_store_idx %arg11[%add3A_851], %masked_cumsum3A masked %eq3A_26 : memref<640xf32, #tpu.memory_space<vmem>>[vector<16xi32>], vector<16xf32>, vector<16xi1>
      %add3A_852 = arith.constant 1 : i32
      %add3A_853 = vector.broadcast %add3A_852 : i32 to vector<16xi32>
      %add3A_854 = arith.addi %broadcast_in_dim3A_848, %add3A_853 : vector<16xi32>
      tpu.vector_store_idx %arg11[%add3A_854], %masked_cumsum3A_834 masked %eq3A_26 : memref<640xf32, #tpu.memory_space<vmem>>[vector<16xi32>], vector<16xf32>, vector<16xi1>
      %add3A_855 = arith.constant 2 : i32
      %add3A_856 = vector.broadcast %add3A_855 : i32 to vector<16xi32>
      %add3A_857 = arith.addi %broadcast_in_dim3A_848, %add3A_856 : vector<16xi32>
      tpu.vector_store_idx %arg11[%add3A_857], %masked_cumsum3A_837 masked %eq3A_26 : memref<640xf32, #tpu.memory_space<vmem>>[vector<16xi32>], vector<16xf32>, vector<16xi1>
      %add3A_858 = arith.constant 3 : i32
      %add3A_859 = vector.broadcast %add3A_858 : i32 to vector<16xi32>
      %add3A_860 = arith.addi %broadcast_in_dim3A_848, %add3A_859 : vector<16xi32>
      tpu.vector_store_idx %arg11[%add3A_860], %masked_cumsum3A_840 masked %eq3A_26 : memref<640xf32, #tpu.memory_space<vmem>>[vector<16xi32>], vector<16xf32>, vector<16xi1>
      %add3A_861 = arith.constant 4 : i32
      %add3A_862 = vector.broadcast %add3A_861 : i32 to vector<16xi32>
      %add3A_863 = arith.addi %broadcast_in_dim3A_848, %add3A_862 : vector<16xi32>
      tpu.vector_store_idx %arg11[%add3A_863], %masked_cumsum3A_843 masked %eq3A_26 : memref<640xf32, #tpu.memory_space<vmem>>[vector<16xi32>], vector<16xf32>, vector<16xi1>
    }
    %scan3A_400 = arith.constant 64 : i32
    %mul3A_401 = arith.constant 5 : i32
    %mul3A_402 = arith.muli %mul3A_2, %mul3A_401 : i32
    %add3A_403 = arith.constant 320 : i32
    %add3A_404 = arith.addi %mul3A_402, %add3A_403 : i32
    %dma_start3A_405 = arith.constant 2 : i32
    %dma_start3A_406 = arith.constant 320 : i32
    %dma_start3A_407 = tpu.memref_slice %arg11[%dma_start3A_406] : memref<640xf32, #tpu.memory_space<vmem>> -> memref<320xf32, #tpu.memory_space<vmem>>
    %dma_start3A_408 = tpu.memref_slice %arg6[%add3A_404] : memref<20480xf32, #tpu.memory_space<hbm>> -> memref<320xf32, #tpu.memory_space<hbm>>
    %dma_start3A_409 = tpu.memref_slice %arg12[%dma_start3A_405] : memref<3x!tpu.dma_semaphore, #tpu.memory_space<semaphore_mem>> -> memref<1x!tpu.dma_semaphore, #tpu.memory_space<semaphore_mem>>
    %dma_start3A_410 = tpu.memref_squeeze %dma_start3A_409 : memref<1x!tpu.dma_semaphore, #tpu.memory_space<semaphore_mem>> -> memref<!tpu.dma_semaphore, #tpu.memory_space<semaphore_mem>>
    %dma_start3A_411 = tpu.memref_slice %arg6[%add3A_404] : memref<20480xf32, #tpu.memory_space<hbm>> -> memref<320xf32, #tpu.memory_space<hbm>>
    %dma_start3A_412 = arith.constant 320 : i32
    %dma_start3A_413 = tpu.memref_slice %arg11[%dma_start3A_412] : memref<640xf32, #tpu.memory_space<vmem>> -> memref<320xf32, #tpu.memory_space<vmem>>
    tpu.enqueue_dma source(%dma_start3A_413 : memref<320xf32, #tpu.memory_space<vmem>>) target(%dma_start3A_411 : memref<320xf32, #tpu.memory_space<hbm>>) target_semaphore(%dma_start3A_410 : memref<!tpu.dma_semaphore, #tpu.memory_space<semaphore_mem>>)
    %dma_wait3A_414 = arith.constant 2 : i32
    %dma_wait3A_415 = arith.constant 0 : i32
    %dma_wait3A_416 = tpu.memref_slice %arg11[%dma_wait3A_415] : memref<640xf32, #tpu.memory_space<vmem>> -> memref<320xf32, #tpu.memory_space<vmem>>
    %dma_wait3A_417 = tpu.memref_slice %arg6[%add3A_298] : memref<20480xf32, #tpu.memory_space<hbm>> -> memref<320xf32, #tpu.memory_space<hbm>>
    %dma_wait3A_418 = tpu.memref_slice %arg12[%dma_wait3A_414] : memref<3x!tpu.dma_semaphore, #tpu.memory_space<semaphore_mem>> -> memref<1x!tpu.dma_semaphore, #tpu.memory_space<semaphore_mem>>
    %dma_wait3A_419 = tpu.memref_squeeze %dma_wait3A_418 : memref<1x!tpu.dma_semaphore, #tpu.memory_space<semaphore_mem>> -> memref<!tpu.dma_semaphore, #tpu.memory_space<semaphore_mem>>
    %dma_wait3A_420 = tpu.memref_slice %arg6[%add3A_298] : memref<20480xf32, #tpu.memory_space<hbm>> -> memref<320xf32, #tpu.memory_space<hbm>>
    %dma_wait3A_421 = arith.constant 0 : i32
    %dma_wait3A_422 = tpu.memref_slice %arg11[%dma_wait3A_421] : memref<640xf32, #tpu.memory_space<vmem>> -> memref<320xf32, #tpu.memory_space<vmem>>
    tpu.wait_dma2 semaphore(%dma_wait3A_419 : memref<!tpu.dma_semaphore, #tpu.memory_space<semaphore_mem>>) src(%dma_wait3A_422 : memref<320xf32, #tpu.memory_space<vmem>>) dst(%dma_wait3A_420 : memref<320xf32, #tpu.memory_space<hbm>>)
    %dma_wait3A_423 = arith.constant 2 : i32
    %dma_wait3A_424 = arith.constant 320 : i32
    %dma_wait3A_425 = tpu.memref_slice %arg11[%dma_wait3A_424] : memref<640xf32, #tpu.memory_space<vmem>> -> memref<320xf32, #tpu.memory_space<vmem>>
    %dma_wait3A_426 = tpu.memref_slice %arg6[%add3A_404] : memref<20480xf32, #tpu.memory_space<hbm>> -> memref<320xf32, #tpu.memory_space<hbm>>
    %dma_wait3A_427 = tpu.memref_slice %arg12[%dma_wait3A_423] : memref<3x!tpu.dma_semaphore, #tpu.memory_space<semaphore_mem>> -> memref<1x!tpu.dma_semaphore, #tpu.memory_space<semaphore_mem>>
    %dma_wait3A_428 = tpu.memref_squeeze %dma_wait3A_427 : memref<1x!tpu.dma_semaphore, #tpu.memory_space<semaphore_mem>> -> memref<!tpu.dma_semaphore, #tpu.memory_space<semaphore_mem>>
    %dma_wait3A_429 = tpu.memref_slice %arg6[%add3A_404] : memref<20480xf32, #tpu.memory_space<hbm>> -> memref<320xf32, #tpu.memory_space<hbm>>
    %dma_wait3A_430 = arith.constant 320 : i32
    %dma_wait3A_431 = tpu.memref_slice %arg11[%dma_wait3A_430] : memref<640xf32, #tpu.memory_space<vmem>> -> memref<320xf32, #tpu.memory_space<vmem>>
    tpu.wait_dma2 semaphore(%dma_wait3A_428 : memref<!tpu.dma_semaphore, #tpu.memory_space<semaphore_mem>>) src(%dma_wait3A_431 : memref<320xf32, #tpu.memory_space<vmem>>) dst(%dma_wait3A_429 : memref<320xf32, #tpu.memory_space<hbm>>)
    return
  }
}

</mosaic_0001>

<sc_bundles>
// kernel: kernel.3.cloned.1.call-start
scs
__scs_entry_jumppad:
0x0: {  	(pc) =	sbr.rel $0x88, $3  }
0x1: {  	(tag) =	ssettag $0x0;
	lr =	simm.s32 $0x1  }
0x2: {  	[smem:$0x3F9D] =	sst lr;
	_ =	strace $0xD0000000  }
0x3: {  	_ = 	snop  }
0x4: {  	_ = 	snop  }
0x5: {  	_ = 	snop  }
0x6: {  	_ = 	snop  }
0x7: {  	_ = 	snop  }
__scs_overlays_trampoline_lowered:
0x8: {  	[smem:$0x3FAC] =	sst s0  }
0x9: {  	[smem:$0x3FAD] =	sst s1  }
0xa: {  	[smem:$0x3FAE] =	sst s2  }
0xb: {  	[smem:$0x3FAF] =	sst s3  }
0xc: {  	[smem:$0x3FB0] =	sst s4  }
0xd: {  	[smem:$0x3FB1] =	sst s5  }
0xe: {  	[smem:$0x3FB2] =	sst s6  }
0xf: {  	[smem:$0x3FB3] =	sst s7  }
0x10: {  	[smem:$0x3FB4] =	sst s8  }
0x11: {  	[smem:$0x3FB5] =	sst s9;
	s0 =	simm.s32 @!p0 $0x0  }
0x12: {  	s1 =	sld [smem:$0x3F9B];
	s0 =	simm.s32 @p0 $0x1  }
0x13: {  	[smem:$0x3FB6] =	sst s0;
	s0 =	simm.s32 @!p1 $0x0  }
0x14: {  	s2 =	sld [smem:$0x3F9A];
	s0 =	simm.s32 @p1 $0x1  }
0x15: {  	[smem:$0x3FB7] =	sst s0;
	s0 =	simm.s32 @!p2 $0x0  }
0x16: {  	s3 =	sld [smem:$0x3FDB];
	s0 =	simm.s32 @p2 $0x1  }
0x17: {  	s4 =	simm.s32 $0x1BF5;
	[smem:$0x3FB9] =	sst s0  }
0x18: {  	s0 =	sld [smem:$0x3F9C];
	_ =	swait.ge [sflag:s4], $0x0  }
0x19: {  	s7 =	sld [smem:$0x3F9D]  }
0x1a: {  	s8 =	sadd.s32 $0xFFFFE003, lr  }
0x1b: {  	s9 =	sadd.s32 $0xFFFFFEF7, lr;
	s5 =	simm.s32 $0xFFFFFFFF;
	p2 =	slt.u32 s8, $0xFFFFF086  }
0x1c: {  	p1 =	slt.u32 s9, $0xF7A;
	s5 =	simm.s32 @!p2 $0x0  }
0x1d: {  	s5 =	simm.s32 @p1 $0x1;
	p0 =	seq.s32 s7, s2  }
0x1e: {  	s7 =	smul.u32 @!p0 $0xF7A, s2;
	p2 =	seq.s32 @!p0 s5, $0x0  }
0x1f: {  	s9 =	smul.u32 $0xF7A, s1;
	s8 =	simm.s32 @!p0 $0x1BF5;
	p2 =	por !p2, p0  }
0x20: {  	[sflag:s8] =	ssyncset.s32 @!p0 $0xFFFFF086;
	s6 =	sadd.s32 @!p0 s3, s7;
	s7 =	simm.s32 @!p0 $0x108  }
0x21: {  	s3 =	sadd.s32 s3, s9;
	s6 =	sadd.s32 @!p0 $0x88, s6;
	s7 =	simm.s32 @p2 $0x1082  }
0x22: {  	[simem:s7], [sflag:s8] =	dma.local @!p0 [hbm:s6], $0xF7A  }
0x23: {  	s9 =	sor.u32 $0xD0000000, s2;
	s6 =	simm.s32 $0x108;
	_ =	swait.ge @!p0 [sflag:s8], $0x0  }
0x24: {  	s3 =	sadd.s32 $0x88, s3;
	s6 =	simm.s32 @!p1 $0x1082;
	[sflag:s4] =	ssyncset.s32 $0xFFFFF086  }
0x25: {  	[simem:s6], [sflag:s4] =	dma.local [hbm:s3], $0xF7A  }
0x26: {  	[smem:$0x3F9D] =	sst s1;
	(tag) =	ssettag s2;
	_ =	strace s9  }
0x27: {  	s1 =	sld [smem:$0x3FAD]  }
0x28: {  	s2 =	sld [smem:$0x3FAE]  }
0x29: {  	s4 =	sld [smem:$0x3FB0]  }
0x2a: {  	p0 =	seq.s32 s5, $0x0;
	s5 =	sld [smem:$0x3FB1]  }
0x2b: {  	s6 =	sld [smem:$0x3FB2]  }
0x2c: {  	s7 =	sld [smem:$0x3FB3]  }
0x2d: {  	s3 =	simm.s32 $0x108;
	s8 =	sld [smem:$0x3FB4]  }
0x2e: {  	s3 =	simm.s32 @!p0 $0x1082;
	s9 =	sld [smem:$0x3FB5]  }
0x2f: {  	lr =	sadd.s32 s0, s3;
	s0 =	sld [smem:$0x3FAC]  }
0x30: {  	s3 =	sld [smem:$0x3FAF]  }
0x31: {  	[smem:$0x3FB8] =	sst s10  }
0x32: {  	s10 =	sld [smem:$0x3FB6];
	_ =	sdelay $0x3  }
0x33: {  	p0 =	seq.s32 s10, $0x1;
	s10 =	sld [smem:$0x3FB8];
	_ =	sdelay $0x3  }
0x34: {  	[smem:$0x3FB8] =	sst s10  }
0x35: {  	s10 =	sld [smem:$0x3FB7];
	_ =	sdelay $0x3  }
0x36: {  	p1 =	seq.s32 s10, $0x1;
	s10 =	sld [smem:$0x3FB8];
	_ =	sdelay $0x3  }
0x37: {  	[smem:$0x3FB8] =	sst s10  }
0x38: {  	s10 =	sld [smem:$0x3FB9]  }
0x39: {  	_ = 	snop;
	(pc) =	sbr.ind lr, $3  }
0x3a: {  	_ = 	snop  }
0x3b: {  	_ = 	snop  }
0x3c: {  	p2 =	seq.s32 s10, $0x1;
	s10 =	sld [smem:$0x3FB8]  }
0x3d: {  	_ =	shalt  }
0x3e: {  	_ =	shalt  }
0x3f: {  	_ =	shalt  }
0x40: {  	_ =	shalt  }
0x41: {  	_ =	shalt  }
0x42: {  	_ =	shalt  }
0x43: {  	_ =	shalt  }
0x44: {  	_ =	shalt  }
0x45: {  	_ =	shalt  }
0x46: {  	_ =	shalt  }
0x47: {  	_ =	shalt  }
0x48: {  	_ =	shalt  }
0x49: {  	_ =	shalt  }
0x4a: {  	_ =	shalt  }
0x4b: {  	_ =	shalt  }
0x4c: {  	_ =	shalt  }
0x4d: {  	_ =	shalt  }
0x4e: {  	_ =	shalt  }
0x4f: {  	_ =	shalt  }
0x50: {  	_ =	shalt  }
0x51: {  	_ =	shalt  }
0x52: {  	_ =	shalt  }
0x53: {  	_ =	shalt  }
0x54: {  	_ =	shalt  }
0x55: {  	_ =	shalt  }
0x56: {  	_ =	shalt  }
0x57: {  	_ =	shalt  }
0x58: {  	_ =	shalt  }
0x59: {  	_ =	shalt  }
0x5a: {  	_ =	shalt  }
0x5b: {  	_ =	shalt  }
0x5c: {  	_ =	shalt  }
0x5d: {  	_ =	shalt  }
0x5e: {  	_ =	shalt  }
0x5f: {  	_ =	shalt  }
0x60: {  	_ =	shalt  }
0x61: {  	_ =	shalt  }
0x62: {  	_ =	shalt  }
0x63: {  	_ =	shalt  }
0x64: {  	_ =	shalt  }
0x65: {  	_ =	shalt  }
0x66: {  	_ =	shalt  }
0x67: {  	_ =	shalt  }
0x68: {  	_ =	shalt  }
0x69: {  	_ =	shalt  }
0x6a: {  	_ =	shalt  }
0x6b: {  	_ =	shalt  }
0x6c: {  	_ =	shalt  }
0x6d: {  	_ =	shalt  }
0x6e: {  	_ =	shalt  }
0x6f: {  	_ =	shalt  }
0x70: {  	_ =	shalt  }
0x71: {  	_ =	shalt  }
0x72: {  	_ =	shalt  }
0x73: {  	_ =	shalt  }
0x74: {  	_ =	shalt  }
0x75: {  	_ =	shalt  }
0x76: {  	_ =	shalt  }
0x77: {  	_ =	shalt  }
0x78: {  	_ =	shalt  }
0x79: {  	_ =	shalt  }
0x7a: {  	_ =	shalt  }
0x7b: {  	_ =	shalt  }
0x7c: {  	_ =	shalt  }
0x7d: {  	_ =	shalt  }
0x7e: {  	_ =	shalt  }
0x7f: {  	_ =	shalt  }
0x80: {  	_ =	shalt  }
0x81: {  	_ =	shalt  }
0x82: {  	_ =	shalt  }
0x83: {  	_ =	shalt  }
0x84: {  	_ =	shalt  }
0x85: {  	_ =	shalt  }
0x86: {  	_ =	shalt  }
0x87: {  	_ =	shalt  }
.Lfunc_end0:
.L_simem_size_0:
called_computation_lowered:
.L_overlay_start_0:
0x88: {  	s2 =	sld [smem:$0x3FD9]  }
0x89: {  	s3 =	sld [smem:$0x3FFE];
	_ =	sdelay $0x1  }
0x8a: {  	s1 =	srdreg.scid  }
0x8b: {  	s0 =	sand.u32 $0x1, s1  }
0x8c: {  	s18 =	sshll.u32 s0, $0xA;
	s2 =	sadd.s32 s3, s2  }
0x8d: {  	s2 =	sadd.s32 s2, s18  }
0x8e: {  	[smem:$0x3FC4] =	sst s2  }
0x8f: {  	_ = 	snop  }
0x90: {  	s2 =	sld [smem:$0x3FC9]  }
0x91: {  	s19 =	sld [smem:$0x3FC8]  }
0x92: {  	s4 =	sld [smem:$0x3FC7]  }
0x93: {  	s5 =	sld [smem:$0x3FC6]  }
0x94: {  	s6 =	sld [smem:$0x3FD0];
	(tm) =	ssettm $0x1  }
0x95: {  	s7 =	sld [smem:$0x3FFB];
	_ =	sdelay $0x3  }
0x96: {  	_ =	strace s7  }
0x97: {  	s7 =	sld [smem:$0x3FFC];
	_ =	sdelay $0x3  }
0x98: {  	_ =	strace s7  }
0x99: {  	s7 =	sld [smem:$0x3FFD];
	_ =	sdelay $0x3  }
0x9a: {  	_ =	strace s7  }
0x9b: {  	_ =	strace $0x8FFFFFFF  }
0x9c: {  	s20 =	sld [smem:$0x3FDB];
	_ =	sdelay $0x1  }
0x9d: {  	s8 =	simm.s32 $_scs_section_size  }
0x9e: {  	s9 =	simm.s32 $_size__tile_overlayer_lowered;
	s10 =	simm.s32 $_tile_overlayer_lowered  }
0x9f: {  	s23 =	simm.s32 $0x1BFF;
	s22 =	sshll.u32 s10, $0x1;
	s7 =	sadd.s32 s8, s20  }
0xa0: {  	s11 =	simm.s32 $0x0;
	s21 =	sshll.u32 s9, $0x1;
	s9 =	sadd.s32 s22, s7  }
0xa1: {  	[timem:s11], [sflag:s23] =	dma.local [hbm:s9], s21  }
0xa2: {  	_ =	swait.ge [sflag:s23], s21  }
0xa3: {  	s8 =	ssub.s32 $0x0, s21;
	[sflag:s23] =	ssyncset.done $0x0  }
0xa4: {  	[sflag:s23] =	ssyncadd.s32 s8;
	_ =	sdelay $0x1  }
0xa5: {  	s24 =	simm.s32 $0x1B8B  }
0xa6: {  	_ =	swait.ge [sflag:s24], $0x1  }
0xa7: {  	[sflag:s24] =	ssyncset.done $0x0  }
0xa8: {  	s25 =	simm.s32 $0x1B8E;
	[sflag:s24] =	ssyncadd.s32 $0xFFFFFFFF  }
0xa9: {  	s26 =	simm.s32 $execute0_lowered;
	[smem:$0x3FD2] =	sst s25  }
0xaa: {  	s8 =	sshll.u32 s26, $0x1;
	_ =	strace $0x80000046;
	[dreg:$0x1] =	wrdreg $0xFFFFFFFF  }
0xab: {  	s28 =	simm.s32 $_size_execute0_lowered;
	s7 =	sadd.s32 s7, s8;
	[dreg:$0x0] =	wrdreg $0x0  }
0xac: {  	s8 =	sshll.u32 s28, $0x1;
	[dreg:$0x2] =	wrdreg s7  }
0xad: {  	[dreg:$0x3] =	wrdreg s8  }
0xae: {  	[dreg:$0x4] =	wrdreg $0xC0  }
0xaf: {  	_ =	task [dreg:s11], $0x5FFFF  }
0xb0: {  	[dreg:$0x1] =	wrdreg $0xFFFFFFFF  }
0xb1: {  	[dreg:$0x0] =	wrdreg $0x60  }
0xb2: {  	[dreg:$0x2] =	wrdreg s2  }
0xb3: {  	[dreg:$0x3] =	wrdreg s19  }
0xb4: {  	[dreg:$0x4] =	wrdreg s4  }
0xb5: {  	[dreg:$0x5] =	wrdreg s5  }
0xb6: {  	[dreg:$0x6] =	wrdreg s6  }
0xb7: {  	[dreg:$0x7] =	wrdreg $0x9  }
0xb8: {  	_ =	task.clear_ibuf [dreg:s11], $0x8FFFF;
	_ =	strace $0x90000046  }
0xb9: {  	s29 =	simm.s32 $0x9;
	_ =	strace $0x80000048  }
0xba: {  	_ =	swait.ge [sflag:s29], $0x1  }
0xbb: {  	[sflag:s29] =	ssyncadd.s32 $0xFFFFFFFF  }
0xbc: {  	_ =	strace $0x90000048  }
0xbd: {  	_ =	sfence  }
0xbe: {  	s30 =	sld [smem:$0x0];
	_ =	sdelay $0x2  }
0xbf: {  	s31 =	sshll.u32 s1, $0xD;
	s1 =	sshrl.u32 s1, $0x2  }
0xc0: {  	s3 =	sand.u32 $0x4000, s31;
	s1 =	sadd.s32 s1, s30  }
0xc1: {  	s0 =	sor.u32 s3, s0;
	s1 =	sshll.u32 s1, $0x11  }
0xc2: {  	s0 =	sor.u32 s1, s0  }
0xc3: {  	s0 =	sadd.s32 $0x8F2B, s0  }
0xc4: {  	[sflag:s0] =	ssyncadd.remote.s32 $0x1  }
0xc5: {  	_ =	sfence.sel $0xFFFF  }
0xc6: {  	[dreg:$0x0] =	wrdreg $0xFFFFFFFF;
	(pc) =	sbr.abs _section_cstart, $3  }
0xc7: {  	[dreg:$0x1] =	wrdreg $0xFFFFFFFF  }
0xc8: {  	_ =	task.clear_ibuf [dreg:s11], $0x2FFFF;
	_ =	strace $0x9FFFFFFF  }
0xc9: {  	(tm) =	ssettm $0x7FFFFFFF  }
tec
execute0_lowered:
.L_overlay_start_1:
0x0: {  	(tag) =	ssettag $0x1  }
0x1: {  	s0 =	rddreg [dreg:$0x0]  }
0x2: {  	s1 =	rddreg [dreg:$0x1]  }
0x3: {  	s2 =	rddreg [dreg:$0x2]  }
0x4: {  	s3 =	rddreg [dreg:$0x3]  }
0x5: {  	s7 =	rddreg [dreg:$0x4];
	s4 =	srdreg.scid  }
0x6: {  	s6 =	stileid.u32;
	s12 =	simm.s32 $0x80;
	s13 =	simm.s32 $0x3  }
0x7: {  	s14 =	simm.s32 $0x40;
	s28 =	simm.s32 $0xC0;
	s29 =	simm.s32 $0xE480  }
0x8: {  	s30 =	simm.s32 $0x140;
	s31 =	simm.s32 $0x10480;
	s11 =	simm.s32 $0x14480  }
0x9: {  	s15 =	simm.s32 $0x2C0;
	s16 =	simm.s32 $0x16480;
	s17 =	simm.s32 $0x18480  }
0xa: {  	s18 =	simm.s32 $0x2;
	s19 =	simm.s32 $0x185C0;
	s20 =	simm.s32 $0x0  }
0xb: {  	s5 =	sand.u32 $0x1, s4;
	s6 =	sshll.u32 s6, $0x1;
	s4 =	simm.s32 $0x0  }
0xc: {  	s8 =	ssub.s32 $0x2, s5;
	s5 =	sor.u32 s5, s6;
	[smem:$0x7FF] =	sst s4  }
0xd: {  	s24 =	sshrl.u32 s8, $0x1;
	s9 =	smul.u32 $0x280, s5;
	_ =	strace $0x80000047  }
0xe: {  	s25 =	sshll.u32 s5, $0x4;
	s26 =	sshll.u32 s5, $0x7;
	s10 =	ssub.s32 s8, s24  }
0xf: {  	s5 =	sadd.s32 s0, s25;
	s6 =	sadd.s32 s1, s26;
	s24 =	simm.s32 $0xC480  }
0x10: {  	s25 =	simm.s32 $0x1;
	s26 =	simm.s32 $0x2480;
	s9 =	sshrl.u32 s9, $0x3  }
0x11: {  	s0 =	simm.s32 $0x1C0;
	s1 =	simm.s32 $0x12480;
	s7 =	sadd.s32 s7, s9  }
0x12: {  	vm0 =	vcmask $0x3F3C;
	s9 =	smax.u32 s10, $0x1;
	s10 =	simm.s32 $0x240;
	s8 =	sadd.s32 $0x28, s7  }
.LBB2_1:
0x13: {  	[tilespmem:s4], [sflag:$0x3] =	stream.linear.gather [hbm4b:s5+s4], $0x80, $0x38;
	[tilespmem:$0x18700] =	vst v63  }
0x14: {  	s21 =	simm.s32 $0x400;
	s22 =	simm.s32 $0x8000  }
0x15: {  	[tilespmem:s12], [sflag:$0x3] =	stream.strided.gather [hbm4b:s6+s21], $0x0, s22, s21, $0x38;
	[tilespmem:$0x18700] =	vst v63  }
0x16: {  	_ = 	snop  }
0x17: {  	[tilespmem:s12], [sflag:$0x3] =	stream.linear.gather [hbm4b:s6+s4], $0x280, $0x38;
	[tilespmem:$0x18700] =	vst v63  }
0x18: {  	_ =	swait.ge [sflag:s13], $0x80  }
0x19: {  	[sflag:s13] =	ssyncset.done $0x0  }
0x1a: {  	[sflag:s13] =	ssyncadd.s32 $0xFFFFFF80  }
0x1b: {  	_ =	swait.ge [sflag:s13], $0x280  }
0x1c: {  	[sflag:s13] =	ssyncset.done $0x0  }
0x1d: {  	s22 =	simm.s32 $0x480;
	[sflag:s13] =	ssyncadd.s32 $0xFFFFFD80  }
0x1e: {  	[tilespmem:s22], [sflag:$0x1] =	stream.indirect.gather [hbm4b:s2+s14], $0x80, s4, s14, $0xb8;
	[tilespmem:$0x18700] =	vst v63  }
0x1f: {  	s23 =	simm.s32 $0x4480  }
0x20: {  	[tilespmem:s23], [sflag:$0x1] =	stream.indirect.gather [hbm4b:s3+s14], $0x80, s12, s14, $0xb8;
	[tilespmem:$0x18700] =	vst v63  }
0x21: {  	s22 =	simm.s32 $0x100;
	s23 =	simm.s32 $0x6480  }
0x22: {  	[tilespmem:s23], [sflag:$0x1] =	stream.indirect.gather [hbm4b:s3+s14], $0x80, s22, s14, $0xb8;
	[tilespmem:$0x18700] =	vst v63  }
0x23: {  	s22 =	simm.s32 $0x180;
	s23 =	simm.s32 $0x8480  }
0x24: {  	[tilespmem:s23], [sflag:$0x1] =	stream.indirect.gather [hbm4b:s3+s14], $0x80, s22, s14, $0xb8;
	[tilespmem:$0x18700] =	vst v63  }
0x25: {  	s22 =	simm.s32 $0x200;
	s23 =	simm.s32 $0xA480  }
0x26: {  	[tilespmem:s23], [sflag:$0x1] =	stream.indirect.gather [hbm4b:s3+s14], $0x80, s22, s14, $0xb8;
	[tilespmem:$0x18700] =	vst v63  }
0x27: {  	s23 =	simm.s32 $0x280  }
0x28: {  	[tilespmem:s24], [sflag:$0x1] =	stream.indirect.gather [hbm4b:s3+s14], $0x80, s23, s14, $0xb8;
	[tilespmem:$0x18700] =	vst v63  }
0x29: {  	_ =	swait.ge [sflag:s25], $0x2000  }
0x2a: {  	[sflag:s25] =	ssyncset.done $0x0  }
0x2b: {  	[sflag:s25] =	ssyncadd.s32 $0xFFFFE000  }
0x2c: {  	_ =	swait.ge [sflag:s25], $0x2000  }
0x2d: {  	[sflag:s25] =	ssyncset.done $0x0  }
0x2e: {  	[sflag:s25] =	ssyncadd.s32 $0xFFFFE000  }
0x2f: {  	_ =	swait.ge [sflag:s25], $0x2000  }
0x30: {  	[sflag:s25] =	ssyncset.done $0x0  }
0x31: {  	[sflag:s25] =	ssyncadd.s32 $0xFFFFE000  }
0x32: {  	_ =	swait.ge [sflag:s25], $0x2000  }
0x33: {  	[sflag:s25] =	ssyncset.done $0x0  }
0x34: {  	[sflag:s25] =	ssyncadd.s32 $0xFFFFE000  }
0x35: {  	_ =	swait.ge [sflag:s25], $0x2000  }
0x36: {  	[sflag:s25] =	ssyncset.done $0x0  }
0x37: {  	[sflag:s25] =	ssyncadd.s32 $0xFFFFE000  }
0x38: {  	_ =	swait.ge [sflag:s25], $0x2000  }
0x39: {  	[sflag:s25] =	ssyncset.done $0x0  }
0x3a: {  	[sflag:s25] =	ssyncadd.s32 $0xFFFFE000  }
0x3b: {  	[tilespmem:s26], [sflag:$0x2] =	stream.indirect.gather [hbm4b:s2+s14], $0x80, s14, s14, $0xb8;
	[tilespmem:$0x18700] =	vst v63  }
0x3c: {  	_ = 	snop  }
0x3d: {  	[tilespmem:s29], [sflag:$0x2] =	stream.indirect.gather [hbm4b:s3+s14], $0x80, s28, s14, $0xb8;
	[tilespmem:$0x18700] =	vst v63  }
0x3e: {  	_ = 	snop  }
0x3f: {  	[tilespmem:s31], [sflag:$0x2] =	stream.indirect.gather [hbm4b:s3+s14], $0x80, s30, s14, $0xb8;
	[tilespmem:$0x18700] =	vst v63  }
0x40: {  	_ = 	snop  }
0x41: {  	[tilespmem:s1], [sflag:$0x2] =	stream.indirect.gather [hbm4b:s3+s14], $0x80, s0, s14, $0xb8;
	[tilespmem:$0x18700] =	vst v63  }
0x42: {  	_ = 	snop  }
0x43: {  	[tilespmem:s11], [sflag:$0x2] =	stream.indirect.gather [hbm4b:s3+s14], $0x80, s10, s14, $0xb8;
	[tilespmem:$0x18700] =	vst v63  }
0x44: {  	s21 =	simm.s32 $0x0;
	s22 =	simm.s32 $0x0  }
0x45: {  	[tilespmem:s16], [sflag:$0x2] =	stream.indirect.gather [hbm4b:s3+s14], $0x80, s15, s14, $0xb8;
	[tilespmem:$0x18700] =	vst v63  }
.LBB2_2:
0x46: {  	s23 =	sshra.s32 s22, $0x2  }
0x47: {  	v0 =	vld [tilespmem:s23+$0x480]  }
0x48: {  	v1 =	vld [tilespmem:s23+$0x490]  }
0x49: {  	v2 =	vld [tilespmem:s23+$0x4A0]  }
0x4a: {  	v3 =	vld [tilespmem:s23+$0x4B0]  }
0x4b: {  	v4 =	vld [tilespmem:s23+$0x4C0]  }
0x4c: {  	v5 =	vld [tilespmem:s23+$0x4D0]  }
0x4d: {  	v6 =	vld [tilespmem:s23+$0x4E0]  }
0x4e: {  	v7 =	vld [tilespmem:s23+$0x4F0]  }
0x4f: {  	v8 =	vld [tilespmem:s23+$0x4480]  }
0x50: {  	v9 =	vld [tilespmem:s23+$0x4490]  }
0x51: {  	v10 =	vld [tilespmem:s23+$0x44A0]  }
0x52: {  	v11 =	vld [tilespmem:s23+$0x44B0]  }
0x53: {  	v12 =	vld [tilespmem:s23+$0x44C0]  }
0x54: {  	v13 =	vld [tilespmem:s23+$0x44D0]  }
0x55: {  	v14 =	vld [tilespmem:s23+$0x44E0]  }
0x56: {  	v15 =	vld [tilespmem:s23+$0x44F0]  }
0x57: {  	v16 =	vld [tilespmem:s23+$0x6480]  }
0x58: {  	v17 =	vld [tilespmem:s23+$0x6490]  }
0x59: {  	v18 =	vld [tilespmem:s23+$0x64A0]  }
0x5a: {  	v19 =	vld [tilespmem:s23+$0x64B0]  }
0x5b: {  	v20 =	vld [tilespmem:s23+$0x64C0]  }
0x5c: {  	v21 =	vld [tilespmem:s23+$0x64D0]  }
0x5d: {  	v22 =	vld [tilespmem:s23+$0x64E0]  }
0x5e: {  	v23 =	vld [tilespmem:s23+$0x64F0]  }
0x5f: {  	v24 =	vld [tilespmem:s23+$0x8480]  }
0x60: {  	v25 =	vld [tilespmem:s23+$0x8490]  }
0x61: {  	v26 =	vld [tilespmem:s23+$0x84A0]  }
0x62: {  	v27 =	vld [tilespmem:s23+$0x84B0]  }
0x63: {  	v28 =	vld [tilespmem:s23+$0x84C0];
	v8 =	vmul.f32 v8, v0;
	v9 =	vmul.f32 v9, v1  }
0x64: {  	v29 =	vld [tilespmem:s23+$0x84D0];
	v10 =	vmul.f32 v10, v2;
	v11 =	vmul.f32 v11, v3  }
0x65: {  	v30 =	vld [tilespmem:s23+$0x84E0];
	v12 =	vmul.f32 v12, v4;
	v13 =	vmul.f32 v13, v5  }
0x66: {  	v39 =	vld [tilespmem:s23+$0x84F0];
	v14 =	vmul.f32 v14, v6;
	v15 =	vmul.f32 v15, v7  }
0x67: {  	v42 =	vld [tilespmem:s23+$0xA480];
	v46 =	vmul.f32 v16, v0;
	v47 =	vmul.f32 v17, v1  }
0x68: {  	v43 =	vld [tilespmem:s23+$0xA490];
	v49 =	vmul.f32 v18, v2;
	v50 =	vmul.f32 v19, v3  }
0x69: {  	v45 =	vld [tilespmem:s23+$0xA4A0];
	v52 =	vmul.f32 v20, v4;
	v53 =	vmul.f32 v21, v5  }
0x6a: {  	v48 =	vld [tilespmem:s23+$0xA4B0];
	v55 =	vmul.f32 v22, v6;
	v56 =	vmul.f32 v23, v7  }
0x6b: {  	v37 =	vld [tilespmem:s23+$0xC4B0];
	v58 =	vmul.f32 v24, v0;
	v59 =	vmul.f32 v25, v1  }
0x6c: {  	v51 =	vld [tilespmem:s23+$0xA4C0];
	v61 =	vmul.f32 v26, v2;
	v62 =	vmul.f32 v27, v3  }
0x6d: {  	v63 =	vld [tilespmem:s23+$0xC480];
	v32 =	vmul.f32 v28, v4;
	v33 =	vmul.f32 v29, v5;
	v8 =	vadd.f32 v9, v8  }
0x6e: {  	v36 =	vld [tilespmem:s23+$0xC4A0];
	v35 =	vmul.f32 v30, v6;
	v38 =	vadd.f32 v11, v10;
	v40 =	vadd.f32 v13, v12  }
0x6f: {  	v54 =	vld [tilespmem:s23+$0xA4D0];
	v16 =	vmul.f32 v48, v3;
	v41 =	vadd.f32 v15, v14;
	v12 =	vadd.f32 v47, v46  }
0x70: {  	v60 =	vld [tilespmem:s23+$0xA4F0];
	v3 =	vmul.f32 v37, v3;
	v9 =	vadd.f32 v50, v49;
	v19 =	vadd.f32 v53, v52  }
0x71: {  	v57 =	vld [tilespmem:s23+$0xA4E0];
	v21 =	vadd.f32 v56, v55;
	v10 =	vmul.f32 v39, v7;
	v20 =	vadd.f32 v59, v58  }
0x72: {  	v34 =	vld [tilespmem:s23+$0xC490];
	v22 =	vadd.f32 v62, v61;
	v13 =	vmul.f32 v42, v0;
	v0 =	vmul.f32 v63, v0  }
0x73: {  	v39 =	vld [tilespmem:s23+$0xC4D0];
	v11 =	vmul.f32 v45, v2;
	v2 =	vmul.f32 v36, v2;
	v8 =	vadd.f32 v38, v8  }
0x74: {  	v42 =	vld [tilespmem:s23+$0xC4F0];
	v15 =	vmul.f32 v54, v5;
	v44 =	vadd.f32 v41, v40;
	v9 =	vadd.f32 v9, v12  }
0x75: {  	v45 =	vmul.f32 v60, v7;
	v19 =	vadd.f32 v21, v19;
	v12 =	vadd.f32 v33, v32;
	v38 =	vld [tilespmem:s23+$0xC4C0]  }
0x76: {  	v10 =	vadd.f32 v10, v35;
	v20 =	vadd.f32 v22, v20;
	v40 =	vmul.f32 v43, v1;
	v41 =	vld [tilespmem:s23+$0xC4E0]  }
0x77: {  	v1 =	vmul.f32 v34, v1;
	v11 =	vadd.f32 v16, v11;
	v47 =	vadd.f32 v3, v2  }
0x78: {  	v43 =	vmul.f32 v51, v4;
	v8 =	vadd.f32 v44, v8;
	v10 =	vadd.f32 v10, v12  }
0x79: {  	v9 =	vadd.f32 v19, v9;
	v12 =	vadd.f32 v40, v13;
	v44 =	vmul.f32 v57, v6  }
0x7a: {  	v13 =	vadd.f32 v15, v43;
	v5 =	vmul.f32 v39, v5;
	v7 =	vmul.f32 v42, v7  }
0x7b: {  	v0 =	vadd.f32 v1, v0;
	v4 =	vmul.f32 v38, v4;
	v6 =	vmul.f32 v41, v6  }
0x7c: {  	v10 =	vadd.f32 v10, v20;
	v46 =	vadd.f32 v45, v44  }
0x7d: {  	v48 =	vadd.f32 v5, v4;
	v49 =	vadd.f32 v7, v6  }
0x7e: {  	v50 =	vadd.f32 v11, v12;
	v51 =	vadd.f32 v46, v13  }
0x7f: {  	v0 =	vadd.f32 v47, v0;
	(xrf2) =	vadd.scan.msk.f32 $0xffff, v8;
	v52 =	vadd.f32 v49, v48  }
0x80: {  	(xrf2) =	vadd.scan.msk.f32 $0xffff, v9;
	v53 =	vadd.f32 v51, v50  }
0x81: {  	(xrf2) =	vadd.scan.msk.f32 $0xffff, v10;
	v0 =	vadd.f32 v52, v0  }
0x82: {  	(xrf2) =	vadd.scan.msk.f32 $0xffff, v53  }
0x83: {  	(xrf2) =	vadd.scan.msk.f32 $0xffff, v0;
	_ =	sdelay $0x1  }
0x84: {  	v54 =	vmov s21  }
0x85: {  	v55 =	vadd.s32 $0x1, v54  }
0x86: {  	v56 =	vadd.s32 $0x2, v54  }
0x87: {  	v57 =	vadd.s32 $0x3, v54  }
0x88: {  	p0 =	sne.s32 s22, $0x7E00;
	v59 =	vadd.s32 $0x4, v54;
	v58, _, _ =	vpop (xrf2)  }
.Ltmp0:
0x89: {  	v60, _, _ =	vpop (xrf2);
	[tilespmem:v54+s17+$0x0] =	vst.idx.msk vm0, v58;
	(pc) =	sbr.rel @p0 .LBB2_2-.Ltmp0, $4  }
0x8a: {  	v61, _, _ =	vpop (xrf2);
	[tilespmem:v55+s17+$0x0] =	vst.idx.msk vm0, v60  }
0x8b: {  	[tilespmem:v56+s17+$0x0] =	vst.idx.msk vm0, v61;
	v62, _, _ =	vpop (xrf2)  }
0x8c: {  	[tilespmem:v57+s17+$0x0] =	vst.idx.msk vm0, v62;
	v63, _, _ =	vpop (xrf2)  }
0x8d: {  	s22 =	sadd.s32 $0x200, s22;
	s21 =	sadd.s32 $0x5, s21;
	[tilespmem:v59+s17+$0x0] =	vst.idx.msk vm0, v63  }
0x8e: {  	s21 =	simm.s32 $0x0  }
0x8f: {  	[hbm4b:s7+s21] =	stream.linear.scatter [tilespmem:s17], [sflag:$0x3], $0x140, $0x38;
	[tilespmem:$0x18700] =	vst v63  }
0x90: {  	_ =	swait.ge [sflag:s18], $0x2000  }
0x91: {  	[sflag:s18] =	ssyncset.done $0x0  }
0x92: {  	[sflag:s18] =	ssyncadd.s32 $0xFFFFE000  }
0x93: {  	_ =	swait.ge [sflag:s18], $0x2000  }
0x94: {  	[sflag:s18] =	ssyncset.done $0x0  }
0x95: {  	[sflag:s18] =	ssyncadd.s32 $0xFFFFE000  }
0x96: {  	_ =	swait.ge [sflag:s18], $0x2000  }
0x97: {  	[sflag:s18] =	ssyncset.done $0x0  }
0x98: {  	[sflag:s18] =	ssyncadd.s32 $0xFFFFE000  }
0x99: {  	_ =	swait.ge [sflag:s18], $0x2000  }
0x9a: {  	[sflag:s18] =	ssyncset.done $0x0  }
0x9b: {  	[sflag:s18] =	ssyncadd.s32 $0xFFFFE000  }
0x9c: {  	_ =	swait.ge [sflag:s18], $0x2000  }
0x9d: {  	[sflag:s18] =	ssyncset.done $0x0  }
0x9e: {  	[sflag:s18] =	ssyncadd.s32 $0xFFFFE000  }
0x9f: {  	_ =	swait.ge [sflag:s18], $0x2000  }
0xa0: {  	[sflag:s18] =	ssyncset.done $0x0  }
0xa1: {  	s22 =	simm.s32 $0x140;
	[sflag:s18] =	ssyncadd.s32 $0xFFFFE000  }
.LBB2_4:
0xa2: {  	s23 =	sshra.s32 s21, $0x2  }
0xa3: {  	v0 =	vld [tilespmem:s23+$0x2480]  }
0xa4: {  	v1 =	vld [tilespmem:s23+$0x2490]  }
0xa5: {  	v2 =	vld [tilespmem:s23+$0x24A0]  }
0xa6: {  	v3 =	vld [tilespmem:s23+$0x24B0]  }
0xa7: {  	v4 =	vld [tilespmem:s23+$0x24C0]  }
0xa8: {  	v5 =	vld [tilespmem:s23+$0x24D0]  }
0xa9: {  	v6 =	vld [tilespmem:s23+$0x24E0]  }
0xaa: {  	v7 =	vld [tilespmem:s23+$0x24F0]  }
0xab: {  	v8 =	vld [tilespmem:s23+$0xE480]  }
0xac: {  	v9 =	vld [tilespmem:s23+$0xE490]  }
0xad: {  	v10 =	vld [tilespmem:s23+$0xE4A0]  }
0xae: {  	v11 =	vld [tilespmem:s23+$0xE4B0]  }
0xaf: {  	v12 =	vld [tilespmem:s23+$0xE4C0]  }
0xb0: {  	v13 =	vld [tilespmem:s23+$0xE4D0]  }
0xb1: {  	v14 =	vld [tilespmem:s23+$0xE4E0]  }
0xb2: {  	v15 =	vld [tilespmem:s23+$0xE4F0]  }
0xb3: {  	v16 =	vld [tilespmem:s23+$0x10480]  }
0xb4: {  	v17 =	vld [tilespmem:s23+$0x10490]  }
0xb5: {  	v18 =	vld [tilespmem:s23+$0x104A0]  }
0xb6: {  	v19 =	vld [tilespmem:s23+$0x104B0]  }
0xb7: {  	v20 =	vld [tilespmem:s23+$0x104C0]  }
0xb8: {  	v21 =	vld [tilespmem:s23+$0x104D0]  }
0xb9: {  	v22 =	vld [tilespmem:s23+$0x104E0]  }
0xba: {  	v23 =	vld [tilespmem:s23+$0x104F0]  }
0xbb: {  	v24 =	vld [tilespmem:s23+$0x12480]  }
0xbc: {  	v25 =	vld [tilespmem:s23+$0x12490]  }
0xbd: {  	v26 =	vld [tilespmem:s23+$0x124A0]  }
0xbe: {  	v27 =	vld [tilespmem:s23+$0x124B0]  }
0xbf: {  	v28 =	vld [tilespmem:s23+$0x124C0];
	v8 =	vmul.f32 v8, v0;
	v9 =	vmul.f32 v9, v1  }
0xc0: {  	v29 =	vld [tilespmem:s23+$0x124D0];
	v10 =	vmul.f32 v10, v2;
	v11 =	vmul.f32 v11, v3  }
0xc1: {  	v30 =	vld [tilespmem:s23+$0x124E0];
	v12 =	vmul.f32 v12, v4;
	v13 =	vmul.f32 v13, v5  }
0xc2: {  	v39 =	vld [tilespmem:s23+$0x124F0];
	v14 =	vmul.f32 v14, v6;
	v15 =	vmul.f32 v15, v7  }
0xc3: {  	v42 =	vld [tilespmem:s23+$0x14480];
	v46 =	vmul.f32 v16, v0;
	v47 =	vmul.f32 v17, v1  }
0xc4: {  	v43 =	vld [tilespmem:s23+$0x14490];
	v49 =	vmul.f32 v18, v2;
	v50 =	vmul.f32 v19, v3  }
0xc5: {  	v45 =	vld [tilespmem:s23+$0x144A0];
	v52 =	vmul.f32 v20, v4;
	v53 =	vmul.f32 v21, v5  }
0xc6: {  	v48 =	vld [tilespmem:s23+$0x144B0];
	v55 =	vmul.f32 v22, v6;
	v56 =	vmul.f32 v23, v7  }
0xc7: {  	v37 =	vld [tilespmem:s23+$0x164B0];
	v58 =	vmul.f32 v24, v0;
	v59 =	vmul.f32 v25, v1  }
0xc8: {  	v51 =	vld [tilespmem:s23+$0x144C0];
	v61 =	vmul.f32 v26, v2;
	v62 =	vmul.f32 v27, v3  }
0xc9: {  	v63 =	vld [tilespmem:s23+$0x16480];
	v32 =	vmul.f32 v28, v4;
	v33 =	vmul.f32 v29, v5;
	v8 =	vadd.f32 v9, v8  }
0xca: {  	v36 =	vld [tilespmem:s23+$0x164A0];
	v35 =	vmul.f32 v30, v6;
	v38 =	vadd.f32 v11, v10;
	v40 =	vadd.f32 v13, v12  }
0xcb: {  	v54 =	vld [tilespmem:s23+$0x144D0];
	v16 =	vmul.f32 v48, v3;
	v41 =	vadd.f32 v15, v14;
	v12 =	vadd.f32 v47, v46  }
0xcc: {  	v60 =	vld [tilespmem:s23+$0x144F0];
	v3 =	vmul.f32 v37, v3;
	v9 =	vadd.f32 v50, v49;
	v19 =	vadd.f32 v53, v52  }
0xcd: {  	v57 =	vld [tilespmem:s23+$0x144E0];
	v21 =	vadd.f32 v56, v55;
	v10 =	vmul.f32 v39, v7;
	v20 =	vadd.f32 v59, v58  }
0xce: {  	v34 =	vld [tilespmem:s23+$0x16490];
	v22 =	vadd.f32 v62, v61;
	v13 =	vmul.f32 v42, v0;
	v0 =	vmul.f32 v63, v0  }
0xcf: {  	v39 =	vld [tilespmem:s23+$0x164D0];
	v11 =	vmul.f32 v45, v2;
	v2 =	vmul.f32 v36, v2;
	v8 =	vadd.f32 v38, v8  }
0xd0: {  	v42 =	vld [tilespmem:s23+$0x164F0];
	v15 =	vmul.f32 v54, v5;
	v44 =	vadd.f32 v41, v40;
	v9 =	vadd.f32 v9, v12  }
0xd1: {  	v45 =	vmul.f32 v60, v7;
	v19 =	vadd.f32 v21, v19;
	v12 =	vadd.f32 v33, v32;
	v38 =	vld [tilespmem:s23+$0x164C0]  }
0xd2: {  	v10 =	vadd.f32 v10, v35;
	v20 =	vadd.f32 v22, v20;
	v40 =	vmul.f32 v43, v1;
	v41 =	vld [tilespmem:s23+$0x164E0]  }
0xd3: {  	v1 =	vmul.f32 v34, v1;
	v11 =	vadd.f32 v16, v11;
	v47 =	vadd.f32 v3, v2  }
0xd4: {  	v43 =	vmul.f32 v51, v4;
	v8 =	vadd.f32 v44, v8;
	v10 =	vadd.f32 v10, v12  }
0xd5: {  	v9 =	vadd.f32 v19, v9;
	v12 =	vadd.f32 v40, v13;
	v44 =	vmul.f32 v57, v6  }
0xd6: {  	v13 =	vadd.f32 v15, v43;
	v5 =	vmul.f32 v39, v5;
	v7 =	vmul.f32 v42, v7  }
0xd7: {  	v0 =	vadd.f32 v1, v0;
	v4 =	vmul.f32 v38, v4;
	v6 =	vmul.f32 v41, v6  }
0xd8: {  	v10 =	vadd.f32 v10, v20;
	v46 =	vadd.f32 v45, v44  }
0xd9: {  	v48 =	vadd.f32 v5, v4;
	v49 =	vadd.f32 v7, v6  }
0xda: {  	v50 =	vadd.f32 v11, v12;
	v51 =	vadd.f32 v46, v13  }
0xdb: {  	v0 =	vadd.f32 v47, v0;
	(xrf2) =	vadd.scan.msk.f32 $0xffff, v8;
	v52 =	vadd.f32 v49, v48  }
0xdc: {  	(xrf2) =	vadd.scan.msk.f32 $0xffff, v9;
	v53 =	vadd.f32 v51, v50  }
0xdd: {  	(xrf2) =	vadd.scan.msk.f32 $0xffff, v10;
	v0 =	vadd.f32 v52, v0  }
0xde: {  	(xrf2) =	vadd.scan.msk.f32 $0xffff, v53  }
0xdf: {  	(xrf2) =	vadd.scan.msk.f32 $0xffff, v0;
	_ =	sdelay $0x1  }
0xe0: {  	v54 =	vmov s22  }
0xe1: {  	v55 =	vadd.s32 $0x1, v54  }
0xe2: {  	v56 =	vadd.s32 $0x2, v54  }
0xe3: {  	v57 =	vadd.s32 $0x3, v54  }
0xe4: {  	p0 =	sne.s32 s21, $0x7E00;
	v59 =	vadd.s32 $0x4, v54;
	v58, _, _ =	vpop (xrf2)  }
.Ltmp1:
0xe5: {  	v60, _, _ =	vpop (xrf2);
	[tilespmem:v54+s17+$0x0] =	vst.idx.msk vm0, v58;
	(pc) =	sbr.rel @p0 .LBB2_4-.Ltmp1, $4  }
0xe6: {  	v61, _, _ =	vpop (xrf2);
	[tilespmem:v55+s17+$0x0] =	vst.idx.msk vm0, v60  }
0xe7: {  	[tilespmem:v56+s17+$0x0] =	vst.idx.msk vm0, v61;
	v62, _, _ =	vpop (xrf2)  }
0xe8: {  	[tilespmem:v57+s17+$0x0] =	vst.idx.msk vm0, v62;
	v63, _, _ =	vpop (xrf2)  }
0xe9: {  	s21 =	sadd.s32 $0x200, s21;
	s22 =	sadd.s32 $0x5, s22;
	[tilespmem:v59+s17+$0x0] =	vst.idx.msk vm0, v63  }
0xea: {  	[hbm4b:s8+s4] =	stream.linear.scatter [tilespmem:s19], [sflag:$0x3], $0x140, $0x38;
	[tilespmem:$0x18700] =	vst v63  }
0xeb: {  	s20 =	sadd.s32 $0x1, s20  }
0xec: {  	_ =	swait.ge [sflag:s13], $0x140;
	p0 =	sne.s32 s20, s9  }
.Ltmp2:
0xed: {  	[sflag:s13] =	ssyncset.done $0x0;
	(pc) =	sbr.rel @p0 .LBB2_1-.Ltmp2, $4  }
0xee: {  	[sflag:s13] =	ssyncadd.s32 $0xFFFFFEC0  }
0xef: {  	_ =	swait.ge [sflag:s13], $0x140  }
0xf0: {  	[sflag:s13] =	ssyncset.done $0x0  }
0xf1: {  	[sflag:s13] =	ssyncadd.s32 $0xFFFFFEC0  }
0xf2: {  	_ =	sfence.sel $0x180000  }
0xf3: {  	[bflag:$0x0] =	sbarrier.arrive $0xFFFF  }
0xf4: {  	_ =	strace $0x90000047  }
0xf5: {  	s0 =	stileid.u32;
	[bflag:$0x2] =	sbarrier.arrive $0xFFFF  }
0xf6: {  	p0 =	sne.s32 s0, $0x0;
	s0 =	rddreg [dreg:$0x5]  }
0xf7: {  	s0 =	sadd.s32 @!p0 $0x100000, s0  }
0xf8: {  	[sflag:s0] =	ssyncadd.tile.s32 @!p0 $0x1;
	_ =	shalt  }
.Lfunc_end2:
_tile_overlayer_lowered:
.L_overlay_start_2:
0xf9: {  	(tag) =	ssettag $0x2  }
0xfa: {  	s0 =	rddreg [dreg:$0x0];
	s2 =	stileid.u32  }
0xfb: {  	s1 =	rddreg [dreg:$0x1];
	p0 =	sne.s32 s2, $0x0  }
0xfc: {  	s3 =	rddreg [dreg:$0x2];
	[bflag:$0x3] =	sbarrier.arrive $0xFFFF;
	s2 =	simm.s32 @!p0 $0x1C04  }
0xfd: {  	[timem:s3], [sflag:s2] =	dma.local @!p0 [hbm:s0], s1  }
0xfe: {  	s0 =	simm.s32 @!p0 $0x4  }
0xff: {  	_ =	swait.ge @!p0 [sflag:s0], s1  }
0x100: {  	s1 =	ssub.s32 @!p0 $0x0, s1;
	[sflag:s0] =	ssyncset.done @!p0 $0x0  }
0x101: {  	[sflag:s0] =	ssyncadd.s32 @!p0 s1  }
0x102: {  	[bflag:$0x3] =	sbarrier.arrive $0xFFFF  }
0x103: {  	_ =	shalt  }

</sc_bundles>
